<compile_context>
chip_gen: v7x
topology: tpu7x:2x2x1
jax: 0.10.2.dev20260603
libtpu: 0.0.44.dev20260713+nightly
codegen_flags: <defaults>
</compile_context>

<pallas_src>
import functools

import jax
import jax.numpy as jnp
from jax import lax
from jax.experimental import pallas as pl
from jax.experimental.pallas import tpu as pltpu
from jax.experimental.pallas import tpu_sc as plsc

D = 1024
B = 4 * 8192
NC, NS = 2, 16
NW = NC * NS
BPW = B // NW
C = 8
NBUF = 8
NCHUNK = BPW // C

_mesh = plsc.VectorSubcoreMesh(core_axis_name="c", subcore_axis_name="s")


@functools.partial(
    pl.kernel,
    mesh=_mesh,
    out_type=jax.ShapeDtypeStruct((B, D), jnp.float32),
    scratch_types=[
        pltpu.VMEM((BPW,), jnp.int32),
        pltpu.VMEM((NBUF, C, D), jnp.float32),
    ]
    + [pltpu.SemaphoreType.DMA] * (2 * NBUF),
)
def _gather_rows(idx_hbm, table_hbm, out_hbm, idx_v, rows_v, *sems):
    gsems = sems[:NBUF]
    ssems = sems[NBUF:]
    wid = lax.axis_index("s") * NC + lax.axis_index("c")
    base = wid * BPW
    pltpu.sync_copy(idx_hbm.at[pl.ds(base, BPW)], idx_v)

    def g_start(b, i):
        pltpu.async_copy(
            table_hbm.at[idx_v.at[pl.ds(i * C, C)]], rows_v.at[b], gsems[b]
        )

    def g_wait(b):
        pltpu.make_async_copy(
            table_hbm.at[idx_v.at[pl.ds(0, C)]], rows_v.at[b], gsems[b]
        ).wait()

    def s_start(b, i):
        pltpu.async_copy(
            rows_v.at[b], out_hbm.at[pl.ds(base + i * C, C)], ssems[b]
        )

    def s_wait(b):
        pltpu.make_async_copy(
            rows_v.at[b], out_hbm.at[pl.ds(base, C)], ssems[b]
        ).wait()

    for b in range(NBUF):
        g_start(b, b)

    def outer(t, carry):
        gi = t * NBUF
        for b in range(NBUF):
            g_wait(b)
            s_start(b, gi + b)
            if b >= 1:
                s_wait(b - 1)
                g_start(b - 1, gi + NBUF + b - 1)
        for b in range(NBUF - 1, NBUF):
            s_wait(b)
            g_start(b, gi + NBUF + b)
        return carry

    lax.fori_loop(0, NCHUNK // NBUF - 1, outer, 0)
    gi = NCHUNK - NBUF
    for b in range(NBUF):
        g_wait(b)
        s_start(b, gi + b)
    for b in range(NBUF):
        s_wait(b)


def kernel(position_ids, table):
    idx = position_ids.reshape(-1).astype(jnp.int32)
    out = _gather_rows(idx, table)
    return lax.stop_gradient(out.reshape(position_ids.shape + (D,)))

# --- scband reference (transcript-rebuilt; emitter-appended) ---
"""Pipeline reference for scband-positional-embedding-16088947491220 (READ-ONLY COPY).

The authoritative reference and input builder live on the scoring server;
editing this copy changes nothing except your own understanding.
"""

import jax, jax.numpy as jnp
import numpy as np

MAX_LENGTH = 8192
EMBEDDING_SIZE = 1024


def get_sinusoid_encoding(position_size, hidden_size):
    pos = np.arange(position_size, dtype=np.float64)[:, None]
    hid = np.arange(hidden_size, dtype=np.float64)[None, :]
    angle = pos / np.power(10000.0, 2.0 * (hid // 2) / hidden_size)
    sinusoid = angle.copy()
    sinusoid[:, 0::2] = np.sin(sinusoid[:, 0::2])
    sinusoid[:, 1::2] = np.cos(sinusoid[:, 1::2])
    return sinusoid.astype('float32')


def setup_inputs(seed: int = 0) -> dict:
    key = jax.random.key(seed)
    k1, _ = jax.random.split(key)
    position_ids = jax.random.randint(k1, (4, 8192), 0, MAX_LENGTH, dtype=jnp.int64 if jax.config.jax_enable_x64 else jnp.int32)
    table = jnp.asarray(get_sinusoid_encoding(MAX_LENGTH, EMBEDDING_SIZE))
    return {"position_ids": position_ids, "table": table}


def reference(position_ids, table):
    # nn.Embedding lookup: gather rows of the position encoding table
    position_embedding = jnp.take(table, position_ids, axis=0)
    # forward detaches the output (no gradient flows through it)
    position_embedding = jax.lax.stop_gradient(position_embedding)
    return position_embedding

if __name__ == "__main__":
    import jax
    _d = setup_inputs()
    print(jax.jit(kernel)(*tuple(_d.values())))

</pallas_src>

<mosaic_0001>
#map = affine_map<(d0, d1) -> (0)>
#map1 = affine_map<(d0, d1) -> (0, 0)>
module attributes {stable_mosaic.version = 14 : i64} {
  func.func @_gather_rows(%arg0: i32, %arg1: i32, %arg2: memref<32768xi32, #tpu.memory_space<hbm>>, %arg3: memref<8192x1024xf32, #tpu.memory_space<hbm>>, %arg4: memref<32768x1024xf32, #tpu.memory_space<hbm>>, %arg5: memref<1024xi32, #tpu.memory_space<vmem>>, %arg6: memref<8x8x1024xf32, #tpu.memory_space<vmem>>, %arg7: memref<!tpu.dma_semaphore, #tpu.memory_space<semaphore_mem>>, %arg8: memref<!tpu.dma_semaphore, #tpu.memory_space<semaphore_mem>>, %arg9: memref<!tpu.dma_semaphore, #tpu.memory_space<semaphore_mem>>, %arg10: memref<!tpu.dma_semaphore, #tpu.memory_space<semaphore_mem>>, %arg11: memref<!tpu.dma_semaphore, #tpu.memory_space<semaphore_mem>>, %arg12: memref<!tpu.dma_semaphore, #tpu.memory_space<semaphore_mem>>, %arg13: memref<!tpu.dma_semaphore, #tpu.memory_space<semaphore_mem>>, %arg14: memref<!tpu.dma_semaphore, #tpu.memory_space<semaphore_mem>>, %arg15: memref<!tpu.dma_semaphore, #tpu.memory_space<semaphore_mem>>, %arg16: memref<!tpu.dma_semaphore, #tpu.memory_space<semaphore_mem>>, %arg17: memref<!tpu.dma_semaphore, #tpu.memory_space<semaphore_mem>>, %arg18: memref<!tpu.dma_semaphore, #tpu.memory_space<semaphore_mem>>, %arg19: memref<!tpu.dma_semaphore, #tpu.memory_space<semaphore_mem>>, %arg20: memref<!tpu.dma_semaphore, #tpu.memory_space<semaphore_mem>>, %arg21: memref<!tpu.dma_semaphore, #tpu.memory_space<semaphore_mem>>, %arg22: memref<!tpu.dma_semaphore, #tpu.memory_space<semaphore_mem>>) attributes {dimension_semantics = [#tpu.dimension_semantics<core_parallel>, #tpu.dimension_semantics<subcore_parallel>], iteration_bounds = array<i64: 2, 16>, scalar_prefetch = 0 : i64, scratch_operands = 18 : i64, tpu.core_type = #tpu.core_type<sc_vector_subcore>, window_params = [{transform_indices = #map}, {transform_indices = #map1}, {transform_indices = #map1}]} {
    %mul3A = arith.constant 2 : i32
    %mul3A_0 = arith.muli %arg1, %mul3A : i32
    %add3A = arith.addi %mul3A_0, %arg0 : i32
    %mul3A_1 = arith.constant 1024 : i32
    %mul3A_2 = arith.muli %add3A, %mul3A_1 : i32
    "tpu.region"() ({
      %run_scoped3A = tpu.sem_alloc : memref<!tpu.dma_semaphore, #tpu.memory_space<semaphore_mem>>
      %dma_start3A_390 = tpu.memref_slice %arg2[%mul3A_2] : memref<32768xi32, #tpu.memory_space<hbm>> -> memref<1024xi32, #tpu.memory_space<hbm>>
      %dma_start3A_391 = tpu.memref_slice %arg2[%mul3A_2] : memref<32768xi32, #tpu.memory_space<hbm>> -> memref<1024xi32, #tpu.memory_space<hbm>>
      tpu.enqueue_dma source(%dma_start3A_391 : memref<1024xi32, #tpu.memory_space<hbm>>) target(%arg5 : memref<1024xi32, #tpu.memory_space<vmem>>) target_semaphore(%run_scoped3A : memref<!tpu.dma_semaphore, #tpu.memory_space<semaphore_mem>>)
      %dma_wait3A_392 = tpu.memref_slice %arg2[%mul3A_2] : memref<32768xi32, #tpu.memory_space<hbm>> -> memref<1024xi32, #tpu.memory_space<hbm>>
      %dma_wait3A_393 = tpu.memref_slice %arg2[%mul3A_2] : memref<32768xi32, #tpu.memory_space<hbm>> -> memref<1024xi32, #tpu.memory_space<hbm>>
      tpu.wait_dma2 semaphore(%run_scoped3A : memref<!tpu.dma_semaphore, #tpu.memory_space<semaphore_mem>>) src(%dma_wait3A_393 : memref<1024xi32, #tpu.memory_space<hbm>>) dst(%arg5 : memref<1024xi32, #tpu.memory_space<vmem>>)
      tpu.yield
    }) : () -> ()
    %dma_start3A = arith.constant 0 : i32
    %dma_start3A_3 = arith.constant 0 : i32
    %dma_start3A_4 = arith.constant 0 : i32
    %dma_start3A_5 = tpu.memref_slice %arg6[%dma_start3A, %dma_start3A_3, %dma_start3A_4] : memref<8x8x1024xf32, #tpu.memory_space<vmem>> -> memref<1x8x1024xf32, #tpu.memory_space<vmem>>
    %dma_start3A_6 = tpu.memref_squeeze %dma_start3A_5 : memref<1x8x1024xf32, #tpu.memory_space<vmem>> -> memref<8x1024xf32, #tpu.memory_space<vmem>>
    %dma_start3A_7 = arith.constant 0 : i32
    %dma_start3A_8 = tpu.memref_slice %arg5[%dma_start3A_7] : memref<1024xi32, #tpu.memory_space<vmem>> -> memref<8xi32, #tpu.memory_space<vmem>>
    %dma_start3A_9 = arith.constant 0 : i32
    %dma_start3A_10 = arith.constant 0 : i32
    %dma_start3A_11 = tpu.memref_slice %arg3[%dma_start3A_9, %dma_start3A_10] : memref<8192x1024xf32, #tpu.memory_space<hbm>> -> memref<8192x1024xf32, #tpu.memory_space<hbm>>
    tpu.enqueue_indirect_dma source(%dma_start3A_11 : memref<8192x1024xf32, #tpu.memory_space<hbm>>) target(%dma_start3A_6 : memref<8x1024xf32, #tpu.memory_space<vmem>>) offsets(%dma_start3A_8 : memref<8xi32, #tpu.memory_space<vmem>>) semaphore(%arg7 : memref<!tpu.dma_semaphore, #tpu.memory_space<semaphore_mem>>)
    %dma_start3A_12 = arith.constant 1 : i32
    %dma_start3A_13 = arith.constant 0 : i32
    %dma_start3A_14 = arith.constant 0 : i32
    %dma_start3A_15 = tpu.memref_slice %arg6[%dma_start3A_12, %dma_start3A_13, %dma_start3A_14] : memref<8x8x1024xf32, #tpu.memory_space<vmem>> -> memref<1x8x1024xf32, #tpu.memory_space<vmem>>
    %dma_start3A_16 = tpu.memref_squeeze %dma_start3A_15 : memref<1x8x1024xf32, #tpu.memory_space<vmem>> -> memref<8x1024xf32, #tpu.memory_space<vmem>>
    %dma_start3A_17 = arith.constant 8 : i32
    %dma_start3A_18 = tpu.memref_slice %arg5[%dma_start3A_17] : memref<1024xi32, #tpu.memory_space<vmem>> -> memref<8xi32, #tpu.memory_space<vmem>>
    %dma_start3A_19 = arith.constant 0 : i32
    %dma_start3A_20 = arith.constant 0 : i32
    %dma_start3A_21 = tpu.memref_slice %arg3[%dma_start3A_19, %dma_start3A_20] : memref<8192x1024xf32, #tpu.memory_space<hbm>> -> memref<8192x1024xf32, #tpu.memory_space<hbm>>
    tpu.enqueue_indirect_dma source(%dma_start3A_21 : memref<8192x1024xf32, #tpu.memory_space<hbm>>) target(%dma_start3A_16 : memref<8x1024xf32, #tpu.memory_space<vmem>>) offsets(%dma_start3A_18 : memref<8xi32, #tpu.memory_space<vmem>>) semaphore(%arg8 : memref<!tpu.dma_semaphore, #tpu.memory_space<semaphore_mem>>)
    %dma_start3A_22 = arith.constant 2 : i32
    %dma_start3A_23 = arith.constant 0 : i32
    %dma_start3A_24 = arith.constant 0 : i32
    %dma_start3A_25 = tpu.memref_slice %arg6[%dma_start3A_22, %dma_start3A_23, %dma_start3A_24] : memref<8x8x1024xf32, #tpu.memory_space<vmem>> -> memref<1x8x1024xf32, #tpu.memory_space<vmem>>
    %dma_start3A_26 = tpu.memref_squeeze %dma_start3A_25 : memref<1x8x1024xf32, #tpu.memory_space<vmem>> -> memref<8x1024xf32, #tpu.memory_space<vmem>>
    %dma_start3A_27 = arith.constant 16 : i32
    %dma_start3A_28 = tpu.memref_slice %arg5[%dma_start3A_27] : memref<1024xi32, #tpu.memory_space<vmem>> -> memref<8xi32, #tpu.memory_space<vmem>>
    %dma_start3A_29 = arith.constant 0 : i32
    %dma_start3A_30 = arith.constant 0 : i32
    %dma_start3A_31 = tpu.memref_slice %arg3[%dma_start3A_29, %dma_start3A_30] : memref<8192x1024xf32, #tpu.memory_space<hbm>> -> memref<8192x1024xf32, #tpu.memory_space<hbm>>
    tpu.enqueue_indirect_dma source(%dma_start3A_31 : memref<8192x1024xf32, #tpu.memory_space<hbm>>) target(%dma_start3A_26 : memref<8x1024xf32, #tpu.memory_space<vmem>>) offsets(%dma_start3A_28 : memref<8xi32, #tpu.memory_space<vmem>>) semaphore(%arg9 : memref<!tpu.dma_semaphore, #tpu.memory_space<semaphore_mem>>)
    %dma_start3A_32 = arith.constant 3 : i32
    %dma_start3A_33 = arith.constant 0 : i32
    %dma_start3A_34 = arith.constant 0 : i32
    %dma_start3A_35 = tpu.memref_slice %arg6[%dma_start3A_32, %dma_start3A_33, %dma_start3A_34] : memref<8x8x1024xf32, #tpu.memory_space<vmem>> -> memref<1x8x1024xf32, #tpu.memory_space<vmem>>
    %dma_start3A_36 = tpu.memref_squeeze %dma_start3A_35 : memref<1x8x1024xf32, #tpu.memory_space<vmem>> -> memref<8x1024xf32, #tpu.memory_space<vmem>>
    %dma_start3A_37 = arith.constant 24 : i32
    %dma_start3A_38 = tpu.memref_slice %arg5[%dma_start3A_37] : memref<1024xi32, #tpu.memory_space<vmem>> -> memref<8xi32, #tpu.memory_space<vmem>>
    %dma_start3A_39 = arith.constant 0 : i32
    %dma_start3A_40 = arith.constant 0 : i32
    %dma_start3A_41 = tpu.memref_slice %arg3[%dma_start3A_39, %dma_start3A_40] : memref<8192x1024xf32, #tpu.memory_space<hbm>> -> memref<8192x1024xf32, #tpu.memory_space<hbm>>
    tpu.enqueue_indirect_dma source(%dma_start3A_41 : memref<8192x1024xf32, #tpu.memory_space<hbm>>) target(%dma_start3A_36 : memref<8x1024xf32, #tpu.memory_space<vmem>>) offsets(%dma_start3A_38 : memref<8xi32, #tpu.memory_space<vmem>>) semaphore(%arg10 : memref<!tpu.dma_semaphore, #tpu.memory_space<semaphore_mem>>)
    %dma_start3A_42 = arith.constant 4 : i32
    %dma_start3A_43 = arith.constant 0 : i32
    %dma_start3A_44 = arith.constant 0 : i32
    %dma_start3A_45 = tpu.memref_slice %arg6[%dma_start3A_42, %dma_start3A_43, %dma_start3A_44] : memref<8x8x1024xf32, #tpu.memory_space<vmem>> -> memref<1x8x1024xf32, #tpu.memory_space<vmem>>
    %dma_start3A_46 = tpu.memref_squeeze %dma_start3A_45 : memref<1x8x1024xf32, #tpu.memory_space<vmem>> -> memref<8x1024xf32, #tpu.memory_space<vmem>>
    %dma_start3A_47 = arith.constant 32 : i32
    %dma_start3A_48 = tpu.memref_slice %arg5[%dma_start3A_47] : memref<1024xi32, #tpu.memory_space<vmem>> -> memref<8xi32, #tpu.memory_space<vmem>>
    %dma_start3A_49 = arith.constant 0 : i32
    %dma_start3A_50 = arith.constant 0 : i32
    %dma_start3A_51 = tpu.memref_slice %arg3[%dma_start3A_49, %dma_start3A_50] : memref<8192x1024xf32, #tpu.memory_space<hbm>> -> memref<8192x1024xf32, #tpu.memory_space<hbm>>
    tpu.enqueue_indirect_dma source(%dma_start3A_51 : memref<8192x1024xf32, #tpu.memory_space<hbm>>) target(%dma_start3A_46 : memref<8x1024xf32, #tpu.memory_space<vmem>>) offsets(%dma_start3A_48 : memref<8xi32, #tpu.memory_space<vmem>>) semaphore(%arg11 : memref<!tpu.dma_semaphore, #tpu.memory_space<semaphore_mem>>)
    %dma_start3A_52 = arith.constant 5 : i32
    %dma_start3A_53 = arith.constant 0 : i32
    %dma_start3A_54 = arith.constant 0 : i32
    %dma_start3A_55 = tpu.memref_slice %arg6[%dma_start3A_52, %dma_start3A_53, %dma_start3A_54] : memref<8x8x1024xf32, #tpu.memory_space<vmem>> -> memref<1x8x1024xf32, #tpu.memory_space<vmem>>
    %dma_start3A_56 = tpu.memref_squeeze %dma_start3A_55 : memref<1x8x1024xf32, #tpu.memory_space<vmem>> -> memref<8x1024xf32, #tpu.memory_space<vmem>>
    %dma_start3A_57 = arith.constant 40 : i32
    %dma_start3A_58 = tpu.memref_slice %arg5[%dma_start3A_57] : memref<1024xi32, #tpu.memory_space<vmem>> -> memref<8xi32, #tpu.memory_space<vmem>>
    %dma_start3A_59 = arith.constant 0 : i32
    %dma_start3A_60 = arith.constant 0 : i32
    %dma_start3A_61 = tpu.memref_slice %arg3[%dma_start3A_59, %dma_start3A_60] : memref<8192x1024xf32, #tpu.memory_space<hbm>> -> memref<8192x1024xf32, #tpu.memory_space<hbm>>
    tpu.enqueue_indirect_dma source(%dma_start3A_61 : memref<8192x1024xf32, #tpu.memory_space<hbm>>) target(%dma_start3A_56 : memref<8x1024xf32, #tpu.memory_space<vmem>>) offsets(%dma_start3A_58 : memref<8xi32, #tpu.memory_space<vmem>>) semaphore(%arg12 : memref<!tpu.dma_semaphore, #tpu.memory_space<semaphore_mem>>)
    %dma_start3A_62 = arith.constant 6 : i32
    %dma_start3A_63 = arith.constant 0 : i32
    %dma_start3A_64 = arith.constant 0 : i32
    %dma_start3A_65 = tpu.memref_slice %arg6[%dma_start3A_62, %dma_start3A_63, %dma_start3A_64] : memref<8x8x1024xf32, #tpu.memory_space<vmem>> -> memref<1x8x1024xf32, #tpu.memory_space<vmem>>
    %dma_start3A_66 = tpu.memref_squeeze %dma_start3A_65 : memref<1x8x1024xf32, #tpu.memory_space<vmem>> -> memref<8x1024xf32, #tpu.memory_space<vmem>>
    %dma_start3A_67 = arith.constant 48 : i32
    %dma_start3A_68 = tpu.memref_slice %arg5[%dma_start3A_67] : memref<1024xi32, #tpu.memory_space<vmem>> -> memref<8xi32, #tpu.memory_space<vmem>>
    %dma_start3A_69 = arith.constant 0 : i32
    %dma_start3A_70 = arith.constant 0 : i32
    %dma_start3A_71 = tpu.memref_slice %arg3[%dma_start3A_69, %dma_start3A_70] : memref<8192x1024xf32, #tpu.memory_space<hbm>> -> memref<8192x1024xf32, #tpu.memory_space<hbm>>
    tpu.enqueue_indirect_dma source(%dma_start3A_71 : memref<8192x1024xf32, #tpu.memory_space<hbm>>) target(%dma_start3A_66 : memref<8x1024xf32, #tpu.memory_space<vmem>>) offsets(%dma_start3A_68 : memref<8xi32, #tpu.memory_space<vmem>>) semaphore(%arg13 : memref<!tpu.dma_semaphore, #tpu.memory_space<semaphore_mem>>)
    %dma_start3A_72 = arith.constant 7 : i32
    %dma_start3A_73 = arith.constant 0 : i32
    %dma_start3A_74 = arith.constant 0 : i32
    %dma_start3A_75 = tpu.memref_slice %arg6[%dma_start3A_72, %dma_start3A_73, %dma_start3A_74] : memref<8x8x1024xf32, #tpu.memory_space<vmem>> -> memref<1x8x1024xf32, #tpu.memory_space<vmem>>
    %dma_start3A_76 = tpu.memref_squeeze %dma_start3A_75 : memref<1x8x1024xf32, #tpu.memory_space<vmem>> -> memref<8x1024xf32, #tpu.memory_space<vmem>>
    %dma_start3A_77 = arith.constant 56 : i32
    %dma_start3A_78 = tpu.memref_slice %arg5[%dma_start3A_77] : memref<1024xi32, #tpu.memory_space<vmem>> -> memref<8xi32, #tpu.memory_space<vmem>>
    %dma_start3A_79 = arith.constant 0 : i32
    %dma_start3A_80 = arith.constant 0 : i32
    %dma_start3A_81 = tpu.memref_slice %arg3[%dma_start3A_79, %dma_start3A_80] : memref<8192x1024xf32, #tpu.memory_space<hbm>> -> memref<8192x1024xf32, #tpu.memory_space<hbm>>
    tpu.enqueue_indirect_dma source(%dma_start3A_81 : memref<8192x1024xf32, #tpu.memory_space<hbm>>) target(%dma_start3A_76 : memref<8x1024xf32, #tpu.memory_space<vmem>>) offsets(%dma_start3A_78 : memref<8xi32, #tpu.memory_space<vmem>>) semaphore(%arg14 : memref<!tpu.dma_semaphore, #tpu.memory_space<semaphore_mem>>)
    %scan3A = arith.constant 0 : i32
    %scan3A_82 = arith.constant 0 : i32
    %scan3A_83 = arith.constant 15 : i32
    %scan3A_84 = arith.addi %scan3A_82, %scan3A_83 : i32
    %scan3A_85 = arith.constant 1 : i32
    scf.for %scan3A_390 = %scan3A_82 to %scan3A_84 step %scan3A_85  : i32 {
      %mul3A_391 = arith.constant 8 : i32
      %mul3A_392 = arith.muli %scan3A_390, %mul3A_391 : i32
      %dma_wait3A_393 = arith.constant 0 : i32
      %dma_wait3A_394 = arith.constant 0 : i32
      %dma_wait3A_395 = arith.constant 0 : i32
      %dma_wait3A_396 = tpu.memref_slice %arg6[%dma_wait3A_393, %dma_wait3A_394, %dma_wait3A_395] : memref<8x8x1024xf32, #tpu.memory_space<vmem>> -> memref<1x8x1024xf32, #tpu.memory_space<vmem>>
      %dma_wait3A_397 = tpu.memref_squeeze %dma_wait3A_396 : memref<1x8x1024xf32, #tpu.memory_space<vmem>> -> memref<8x1024xf32, #tpu.memory_space<vmem>>
      %dma_wait3A_398 = arith.constant 0 : i32
      %dma_wait3A_399 = tpu.memref_slice %arg5[%dma_wait3A_398] : memref<1024xi32, #tpu.memory_space<vmem>> -> memref<8xi32, #tpu.memory_space<vmem>>
      %dma_wait3A_400 = arith.constant 0 : i32
      %dma_wait3A_401 = arith.constant 0 : i32
      %dma_wait3A_402 = tpu.memref_slice %arg3[%dma_wait3A_400, %dma_wait3A_401] : memref<8192x1024xf32, #tpu.memory_space<hbm>> -> memref<8192x1024xf32, #tpu.memory_space<hbm>>
      tpu.wait_indirect_dma semaphore(%arg7 : memref<!tpu.dma_semaphore, #tpu.memory_space<semaphore_mem>>) src(%dma_wait3A_402 : memref<8192x1024xf32, #tpu.memory_space<hbm>>) dst(%dma_wait3A_397 : memref<8x1024xf32, #tpu.memory_space<vmem>>)
      %add3A_403 = arith.constant 0 : i32
      %add3A_404 = arith.addi %mul3A_392, %add3A_403 : i32
      %mul3A_405 = arith.constant 8 : i32
      %mul3A_406 = arith.muli %add3A_404, %mul3A_405 : i32
      %add3A_407 = arith.addi %mul3A_2, %mul3A_406 : i32
      %dma_start3A_408 = arith.constant 0 : i32
      %dma_start3A_409 = arith.constant 0 : i32
      %dma_start3A_410 = arith.constant 0 : i32
      %dma_start3A_411 = tpu.memref_slice %arg6[%dma_start3A_408, %dma_start3A_409, %dma_start3A_410] : memref<8x8x1024xf32, #tpu.memory_space<vmem>> -> memref<1x8x1024xf32, #tpu.memory_space<vmem>>
      %dma_start3A_412 = tpu.memref_squeeze %dma_start3A_411 : memref<1x8x1024xf32, #tpu.memory_space<vmem>> -> memref<8x1024xf32, #tpu.memory_space<vmem>>
      %dma_start3A_413 = arith.constant 0 : i32
      %dma_start3A_414 = tpu.memref_slice %arg4[%add3A_407, %dma_start3A_413] : memref<32768x1024xf32, #tpu.memory_space<hbm>> -> memref<8x1024xf32, #tpu.memory_space<hbm>>
      %dma_start3A_415 = arith.constant 0 : i32
      %dma_start3A_416 = tpu.memref_slice %arg4[%add3A_407, %dma_start3A_415] : memref<32768x1024xf32, #tpu.memory_space<hbm>> -> memref<8x1024xf32, #tpu.memory_space<hbm>>
      %dma_start3A_417 = arith.constant 0 : i32
      %dma_start3A_418 = arith.constant 0 : i32
      %dma_start3A_419 = tpu.memref_slice %arg6[%dma_start3A_408, %dma_start3A_417, %dma_start3A_418] : memref<8x8x1024xf32, #tpu.memory_space<vmem>> -> memref<1x8x1024xf32, #tpu.memory_space<vmem>>
      %dma_start3A_420 = tpu.memref_squeeze %dma_start3A_419 : memref<1x8x1024xf32, #tpu.memory_space<vmem>> -> memref<8x1024xf32, #tpu.memory_space<vmem>>
      tpu.enqueue_dma source(%dma_start3A_420 : memref<8x1024xf32, #tpu.memory_space<vmem>>) target(%dma_start3A_416 : memref<8x1024xf32, #tpu.memory_space<hbm>>) target_semaphore(%arg15 : memref<!tpu.dma_semaphore, #tpu.memory_space<semaphore_mem>>)
      %dma_wait3A_421 = arith.constant 1 : i32
      %dma_wait3A_422 = arith.constant 0 : i32
      %dma_wait3A_423 = arith.constant 0 : i32
      %dma_wait3A_424 = tpu.memref_slice %arg6[%dma_wait3A_421, %dma_wait3A_422, %dma_wait3A_423] : memref<8x8x1024xf32, #tpu.memory_space<vmem>> -> memref<1x8x1024xf32, #tpu.memory_space<vmem>>
      %dma_wait3A_425 = tpu.memref_squeeze %dma_wait3A_424 : memref<1x8x1024xf32, #tpu.memory_space<vmem>> -> memref<8x1024xf32, #tpu.memory_space<vmem>>
      %dma_wait3A_426 = arith.constant 0 : i32
      %dma_wait3A_427 = tpu.memref_slice %arg5[%dma_wait3A_426] : memref<1024xi32, #tpu.memory_space<vmem>> -> memref<8xi32, #tpu.memory_space<vmem>>
      %dma_wait3A_428 = arith.constant 0 : i32
      %dma_wait3A_429 = arith.constant 0 : i32
      %dma_wait3A_430 = tpu.memref_slice %arg3[%dma_wait3A_428, %dma_wait3A_429] : memref<8192x1024xf32, #tpu.memory_space<hbm>> -> memref<8192x1024xf32, #tpu.memory_space<hbm>>
      tpu.wait_indirect_dma semaphore(%arg8 : memref<!tpu.dma_semaphore, #tpu.memory_space<semaphore_mem>>) src(%dma_wait3A_430 : memref<8192x1024xf32, #tpu.memory_space<hbm>>) dst(%dma_wait3A_425 : memref<8x1024xf32, #tpu.memory_space<vmem>>)
      %add3A_431 = arith.constant 1 : i32
      %add3A_432 = arith.addi %mul3A_392, %add3A_431 : i32
      %mul3A_433 = arith.constant 8 : i32
      %mul3A_434 = arith.muli %add3A_432, %mul3A_433 : i32
      %add3A_435 = arith.addi %mul3A_2, %mul3A_434 : i32
      %dma_start3A_436 = arith.constant 1 : i32
      %dma_start3A_437 = arith.constant 0 : i32
      %dma_start3A_438 = arith.constant 0 : i32
      %dma_start3A_439 = tpu.memref_slice %arg6[%dma_start3A_436, %dma_start3A_437, %dma_start3A_438] : memref<8x8x1024xf32, #tpu.memory_space<vmem>> -> memref<1x8x1024xf32, #tpu.memory_space<vmem>>
      %dma_start3A_440 = tpu.memref_squeeze %dma_start3A_439 : memref<1x8x1024xf32, #tpu.memory_space<vmem>> -> memref<8x1024xf32, #tpu.memory_space<vmem>>
      %dma_start3A_441 = arith.constant 0 : i32
      %dma_start3A_442 = tpu.memref_slice %arg4[%add3A_435, %dma_start3A_441] : memref<32768x1024xf32, #tpu.memory_space<hbm>> -> memref<8x1024xf32, #tpu.memory_space<hbm>>
      %dma_start3A_443 = arith.constant 0 : i32
      %dma_start3A_444 = tpu.memref_slice %arg4[%add3A_435, %dma_start3A_443] : memref<32768x1024xf32, #tpu.memory_space<hbm>> -> memref<8x1024xf32, #tpu.memory_space<hbm>>
      %dma_start3A_445 = arith.constant 0 : i32
      %dma_start3A_446 = arith.constant 0 : i32
      %dma_start3A_447 = tpu.memref_slice %arg6[%dma_start3A_436, %dma_start3A_445, %dma_start3A_446] : memref<8x8x1024xf32, #tpu.memory_space<vmem>> -> memref<1x8x1024xf32, #tpu.memory_space<vmem>>
      %dma_start3A_448 = tpu.memref_squeeze %dma_start3A_447 : memref<1x8x1024xf32, #tpu.memory_space<vmem>> -> memref<8x1024xf32, #tpu.memory_space<vmem>>
      tpu.enqueue_dma source(%dma_start3A_448 : memref<8x1024xf32, #tpu.memory_space<vmem>>) target(%dma_start3A_444 : memref<8x1024xf32, #tpu.memory_space<hbm>>) target_semaphore(%arg16 : memref<!tpu.dma_semaphore, #tpu.memory_space<semaphore_mem>>)
      %dma_wait3A_449 = arith.constant 0 : i32
      %dma_wait3A_450 = arith.constant 0 : i32
      %dma_wait3A_451 = arith.constant 0 : i32
      %dma_wait3A_452 = tpu.memref_slice %arg6[%dma_wait3A_449, %dma_wait3A_450, %dma_wait3A_451] : memref<8x8x1024xf32, #tpu.memory_space<vmem>> -> memref<1x8x1024xf32, #tpu.memory_space<vmem>>
      %dma_wait3A_453 = tpu.memref_squeeze %dma_wait3A_452 : memref<1x8x1024xf32, #tpu.memory_space<vmem>> -> memref<8x1024xf32, #tpu.memory_space<vmem>>
      %dma_wait3A_454 = arith.constant 0 : i32
      %dma_wait3A_455 = tpu.memref_slice %arg4[%mul3A_2, %dma_wait3A_454] : memref<32768x1024xf32, #tpu.memory_space<hbm>> -> memref<8x1024xf32, #tpu.memory_space<hbm>>
      %dma_wait3A_456 = arith.constant 0 : i32
      %dma_wait3A_457 = tpu.memref_slice %arg4[%mul3A_2, %dma_wait3A_456] : memref<32768x1024xf32, #tpu.memory_space<hbm>> -> memref<8x1024xf32, #tpu.memory_space<hbm>>
      %dma_wait3A_458 = arith.constant 0 : i32
      %dma_wait3A_459 = arith.constant 0 : i32
      %dma_wait3A_460 = tpu.memref_slice %arg6[%dma_wait3A_449, %dma_wait3A_458, %dma_wait3A_459] : memref<8x8x1024xf32, #tpu.memory_space<vmem>> -> memref<1x8x1024xf32, #tpu.memory_space<vmem>>
      %dma_wait3A_461 = tpu.memref_squeeze %dma_wait3A_460 : memref<1x8x1024xf32, #tpu.memory_space<vmem>> -> memref<8x1024xf32, #tpu.memory_space<vmem>>
      tpu.wait_dma2 semaphore(%arg15 : memref<!tpu.dma_semaphore, #tpu.memory_space<semaphore_mem>>) src(%dma_wait3A_461 : memref<8x1024xf32, #tpu.memory_space<vmem>>) dst(%dma_wait3A_457 : memref<8x1024xf32, #tpu.memory_space<hbm>>)
      %add3A_462 = arith.constant 8 : i32
      %add3A_463 = arith.addi %mul3A_392, %add3A_462 : i32
      %add3A_464 = arith.constant 1 : i32
      %add3A_465 = arith.addi %add3A_463, %add3A_464 : i32
      %sub3A = arith.constant 1 : i32
      %sub3A_466 = arith.subi %add3A_465, %sub3A : i32
      %mul3A_467 = arith.constant 8 : i32
      %mul3A_468 = arith.muli %sub3A_466, %mul3A_467 : i32
      %dma_start3A_469 = arith.constant 0 : i32
      %dma_start3A_470 = arith.constant 0 : i32
      %dma_start3A_471 = arith.constant 0 : i32
      %dma_start3A_472 = tpu.memref_slice %arg6[%dma_start3A_469, %dma_start3A_470, %dma_start3A_471] : memref<8x8x1024xf32, #tpu.memory_space<vmem>> -> memref<1x8x1024xf32, #tpu.memory_space<vmem>>
      %dma_start3A_473 = tpu.memref_squeeze %dma_start3A_472 : memref<1x8x1024xf32, #tpu.memory_space<vmem>> -> memref<8x1024xf32, #tpu.memory_space<vmem>>
      %dma_start3A_474 = tpu.memref_slice %arg5[%mul3A_468] : memref<1024xi32, #tpu.memory_space<vmem>> -> memref<8xi32, #tpu.memory_space<vmem>>
      %dma_start3A_475 = arith.constant 0 : i32
      %dma_start3A_476 = arith.constant 0 : i32
      %dma_start3A_477 = tpu.memref_slice %arg3[%dma_start3A_475, %dma_start3A_476] : memref<8192x1024xf32, #tpu.memory_space<hbm>> -> memref<8192x1024xf32, #tpu.memory_space<hbm>>
      tpu.enqueue_indirect_dma source(%dma_start3A_477 : memref<8192x1024xf32, #tpu.memory_space<hbm>>) target(%dma_start3A_473 : memref<8x1024xf32, #tpu.memory_space<vmem>>) offsets(%dma_start3A_474 : memref<8xi32, #tpu.memory_space<vmem>>) semaphore(%arg7 : memref<!tpu.dma_semaphore, #tpu.memory_space<semaphore_mem>>)
      %dma_wait3A_478 = arith.constant 2 : i32
      %dma_wait3A_479 = arith.constant 0 : i32
      %dma_wait3A_480 = arith.constant 0 : i32
      %dma_wait3A_481 = tpu.memref_slice %arg6[%dma_wait3A_478, %dma_wait3A_479, %dma_wait3A_480] : memref<8x8x1024xf32, #tpu.memory_space<vmem>> -> memref<1x8x1024xf32, #tpu.memory_space<vmem>>
      %dma_wait3A_482 = tpu.memref_squeeze %dma_wait3A_481 : memref<1x8x1024xf32, #tpu.memory_space<vmem>> -> memref<8x1024xf32, #tpu.memory_space<vmem>>
      %dma_wait3A_483 = arith.constant 0 : i32
      %dma_wait3A_484 = tpu.memref_slice %arg5[%dma_wait3A_483] : memref<1024xi32, #tpu.memory_space<vmem>> -> memref<8xi32, #tpu.memory_space<vmem>>
      %dma_wait3A_485 = arith.constant 0 : i32
      %dma_wait3A_486 = arith.constant 0 : i32
      %dma_wait3A_487 = tpu.memref_slice %arg3[%dma_wait3A_485, %dma_wait3A_486] : memref<8192x1024xf32, #tpu.memory_space<hbm>> -> memref<8192x1024xf32, #tpu.memory_space<hbm>>
      tpu.wait_indirect_dma semaphore(%arg9 : memref<!tpu.dma_semaphore, #tpu.memory_space<semaphore_mem>>) src(%dma_wait3A_487 : memref<8192x1024xf32, #tpu.memory_space<hbm>>) dst(%dma_wait3A_482 : memref<8x1024xf32, #tpu.memory_space<vmem>>)
      %add3A_488 = arith.constant 2 : i32
      %add3A_489 = arith.addi %mul3A_392, %add3A_488 : i32
      %mul3A_490 = arith.constant 8 : i32
      %mul3A_491 = arith.muli %add3A_489, %mul3A_490 : i32
      %add3A_492 = arith.addi %mul3A_2, %mul3A_491 : i32
      %dma_start3A_493 = arith.constant 2 : i32
      %dma_start3A_494 = arith.constant 0 : i32
      %dma_start3A_495 = arith.constant 0 : i32
      %dma_start3A_496 = tpu.memref_slice %arg6[%dma_start3A_493, %dma_start3A_494, %dma_start3A_495] : memref<8x8x1024xf32, #tpu.memory_space<vmem>> -> memref<1x8x1024xf32, #tpu.memory_space<vmem>>
      %dma_start3A_497 = tpu.memref_squeeze %dma_start3A_496 : memref<1x8x1024xf32, #tpu.memory_space<vmem>> -> memref<8x1024xf32, #tpu.memory_space<vmem>>
      %dma_start3A_498 = arith.constant 0 : i32
      %dma_start3A_499 = tpu.memref_slice %arg4[%add3A_492, %dma_start3A_498] : memref<32768x1024xf32, #tpu.memory_space<hbm>> -> memref<8x1024xf32, #tpu.memory_space<hbm>>
      %dma_start3A_500 = arith.constant 0 : i32
      %dma_start3A_501 = tpu.memref_slice %arg4[%add3A_492, %dma_start3A_500] : memref<32768x1024xf32, #tpu.memory_space<hbm>> -> memref<8x1024xf32, #tpu.memory_space<hbm>>
      %dma_start3A_502 = arith.constant 0 : i32
      %dma_start3A_503 = arith.constant 0 : i32
      %dma_start3A_504 = tpu.memref_slice %arg6[%dma_start3A_493, %dma_start3A_502, %dma_start3A_503] : memref<8x8x1024xf32, #tpu.memory_space<vmem>> -> memref<1x8x1024xf32, #tpu.memory_space<vmem>>
      %dma_start3A_505 = tpu.memref_squeeze %dma_start3A_504 : memref<1x8x1024xf32, #tpu.memory_space<vmem>> -> memref<8x1024xf32, #tpu.memory_space<vmem>>
      tpu.enqueue_dma source(%dma_start3A_505 : memref<8x1024xf32, #tpu.memory_space<vmem>>) target(%dma_start3A_501 : memref<8x1024xf32, #tpu.memory_space<hbm>>) target_semaphore(%arg17 : memref<!tpu.dma_semaphore, #tpu.memory_space<semaphore_mem>>)
      %dma_wait3A_506 = arith.constant 1 : i32
      %dma_wait3A_507 = arith.constant 0 : i32
      %dma_wait3A_508 = arith.constant 0 : i32
      %dma_wait3A_509 = tpu.memref_slice %arg6[%dma_wait3A_506, %dma_wait3A_507, %dma_wait3A_508] : memref<8x8x1024xf32, #tpu.memory_space<vmem>> -> memref<1x8x1024xf32, #tpu.memory_space<vmem>>
      %dma_wait3A_510 = tpu.memref_squeeze %dma_wait3A_509 : memref<1x8x1024xf32, #tpu.memory_space<vmem>> -> memref<8x1024xf32, #tpu.memory_space<vmem>>
      %dma_wait3A_511 = arith.constant 0 : i32
      %dma_wait3A_512 = tpu.memref_slice %arg4[%mul3A_2, %dma_wait3A_511] : memref<32768x1024xf32, #tpu.memory_space<hbm>> -> memref<8x1024xf32, #tpu.memory_space<hbm>>
      %dma_wait3A_513 = arith.constant 0 : i32
      %dma_wait3A_514 = tpu.memref_slice %arg4[%mul3A_2, %dma_wait3A_513] : memref<32768x1024xf32, #tpu.memory_space<hbm>> -> memref<8x1024xf32, #tpu.memory_space<hbm>>
      %dma_wait3A_515 = arith.constant 0 : i32
      %dma_wait3A_516 = arith.constant 0 : i32
      %dma_wait3A_517 = tpu.memref_slice %arg6[%dma_wait3A_506, %dma_wait3A_515, %dma_wait3A_516] : memref<8x8x1024xf32, #tpu.memory_space<vmem>> -> memref<1x8x1024xf32, #tpu.memory_space<vmem>>
      %dma_wait3A_518 = tpu.memref_squeeze %dma_wait3A_517 : memref<1x8x1024xf32, #tpu.memory_space<vmem>> -> memref<8x1024xf32, #tpu.memory_space<vmem>>
      tpu.wait_dma2 semaphore(%arg16 : memref<!tpu.dma_semaphore, #tpu.memory_space<semaphore_mem>>) src(%dma_wait3A_518 : memref<8x1024xf32, #tpu.memory_space<vmem>>) dst(%dma_wait3A_514 : memref<8x1024xf32, #tpu.memory_space<hbm>>)
      %add3A_519 = arith.constant 8 : i32
      %add3A_520 = arith.addi %mul3A_392, %add3A_519 : i32
      %add3A_521 = arith.constant 2 : i32
      %add3A_522 = arith.addi %add3A_520, %add3A_521 : i32
      %sub3A_523 = arith.constant 1 : i32
      %sub3A_524 = arith.subi %add3A_522, %sub3A_523 : i32
      %mul3A_525 = arith.constant 8 : i32
      %mul3A_526 = arith.muli %sub3A_524, %mul3A_525 : i32
      %dma_start3A_527 = arith.constant 1 : i32
      %dma_start3A_528 = arith.constant 0 : i32
      %dma_start3A_529 = arith.constant 0 : i32
      %dma_start3A_530 = tpu.memref_slice %arg6[%dma_start3A_527, %dma_start3A_528, %dma_start3A_529] : memref<8x8x1024xf32, #tpu.memory_space<vmem>> -> memref<1x8x1024xf32, #tpu.memory_space<vmem>>
      %dma_start3A_531 = tpu.memref_squeeze %dma_start3A_530 : memref<1x8x1024xf32, #tpu.memory_space<vmem>> -> memref<8x1024xf32, #tpu.memory_space<vmem>>
      %dma_start3A_532 = tpu.memref_slice %arg5[%mul3A_526] : memref<1024xi32, #tpu.memory_space<vmem>> -> memref<8xi32, #tpu.memory_space<vmem>>
      %dma_start3A_533 = arith.constant 0 : i32
      %dma_start3A_534 = arith.constant 0 : i32
      %dma_start3A_535 = tpu.memref_slice %arg3[%dma_start3A_533, %dma_start3A_534] : memref<8192x1024xf32, #tpu.memory_space<hbm>> -> memref<8192x1024xf32, #tpu.memory_space<hbm>>
      tpu.enqueue_indirect_dma source(%dma_start3A_535 : memref<8192x1024xf32, #tpu.memory_space<hbm>>) target(%dma_start3A_531 : memref<8x1024xf32, #tpu.memory_space<vmem>>) offsets(%dma_start3A_532 : memref<8xi32, #tpu.memory_space<vmem>>) semaphore(%arg8 : memref<!tpu.dma_semaphore, #tpu.memory_space<semaphore_mem>>)
      %dma_wait3A_536 = arith.constant 3 : i32
      %dma_wait3A_537 = arith.constant 0 : i32
      %dma_wait3A_538 = arith.constant 0 : i32
      %dma_wait3A_539 = tpu.memref_slice %arg6[%dma_wait3A_536, %dma_wait3A_537, %dma_wait3A_538] : memref<8x8x1024xf32, #tpu.memory_space<vmem>> -> memref<1x8x1024xf32, #tpu.memory_space<vmem>>
      %dma_wait3A_540 = tpu.memref_squeeze %dma_wait3A_539 : memref<1x8x1024xf32, #tpu.memory_space<vmem>> -> memref<8x1024xf32, #tpu.memory_space<vmem>>
      %dma_wait3A_541 = arith.constant 0 : i32
      %dma_wait3A_542 = tpu.memref_slice %arg5[%dma_wait3A_541] : memref<1024xi32, #tpu.memory_space<vmem>> -> memref<8xi32, #tpu.memory_space<vmem>>
      %dma_wait3A_543 = arith.constant 0 : i32
      %dma_wait3A_544 = arith.constant 0 : i32
      %dma_wait3A_545 = tpu.memref_slice %arg3[%dma_wait3A_543, %dma_wait3A_544] : memref<8192x1024xf32, #tpu.memory_space<hbm>> -> memref<8192x1024xf32, #tpu.memory_space<hbm>>
      tpu.wait_indirect_dma semaphore(%arg10 : memref<!tpu.dma_semaphore, #tpu.memory_space<semaphore_mem>>) src(%dma_wait3A_545 : memref<8192x1024xf32, #tpu.memory_space<hbm>>) dst(%dma_wait3A_540 : memref<8x1024xf32, #tpu.memory_space<vmem>>)
      %add3A_546 = arith.constant 3 : i32
      %add3A_547 = arith.addi %mul3A_392, %add3A_546 : i32
      %mul3A_548 = arith.constant 8 : i32
      %mul3A_549 = arith.muli %add3A_547, %mul3A_548 : i32
      %add3A_550 = arith.addi %mul3A_2, %mul3A_549 : i32
      %dma_start3A_551 = arith.constant 3 : i32
      %dma_start3A_552 = arith.constant 0 : i32
      %dma_start3A_553 = arith.constant 0 : i32
      %dma_start3A_554 = tpu.memref_slice %arg6[%dma_start3A_551, %dma_start3A_552, %dma_start3A_553] : memref<8x8x1024xf32, #tpu.memory_space<vmem>> -> memref<1x8x1024xf32, #tpu.memory_space<vmem>>
      %dma_start3A_555 = tpu.memref_squeeze %dma_start3A_554 : memref<1x8x1024xf32, #tpu.memory_space<vmem>> -> memref<8x1024xf32, #tpu.memory_space<vmem>>
      %dma_start3A_556 = arith.constant 0 : i32
      %dma_start3A_557 = tpu.memref_slice %arg4[%add3A_550, %dma_start3A_556] : memref<32768x1024xf32, #tpu.memory_space<hbm>> -> memref<8x1024xf32, #tpu.memory_space<hbm>>
      %dma_start3A_558 = arith.constant 0 : i32
      %dma_start3A_559 = tpu.memref_slice %arg4[%add3A_550, %dma_start3A_558] : memref<32768x1024xf32, #tpu.memory_space<hbm>> -> memref<8x1024xf32, #tpu.memory_space<hbm>>
      %dma_start3A_560 = arith.constant 0 : i32
      %dma_start3A_561 = arith.constant 0 : i32
      %dma_start3A_562 = tpu.memref_slice %arg6[%dma_start3A_551, %dma_start3A_560, %dma_start3A_561] : memref<8x8x1024xf32, #tpu.memory_space<vmem>> -> memref<1x8x1024xf32, #tpu.memory_space<vmem>>
      %dma_start3A_563 = tpu.memref_squeeze %dma_start3A_562 : memref<1x8x1024xf32, #tpu.memory_space<vmem>> -> memref<8x1024xf32, #tpu.memory_space<vmem>>
      tpu.enqueue_dma source(%dma_start3A_563 : memref<8x1024xf32, #tpu.memory_space<vmem>>) target(%dma_start3A_559 : memref<8x1024xf32, #tpu.memory_space<hbm>>) target_semaphore(%arg18 : memref<!tpu.dma_semaphore, #tpu.memory_space<semaphore_mem>>)
      %dma_wait3A_564 = arith.constant 2 : i32
      %dma_wait3A_565 = arith.constant 0 : i32
      %dma_wait3A_566 = arith.constant 0 : i32
      %dma_wait3A_567 = tpu.memref_slice %arg6[%dma_wait3A_564, %dma_wait3A_565, %dma_wait3A_566] : memref<8x8x1024xf32, #tpu.memory_space<vmem>> -> memref<1x8x1024xf32, #tpu.memory_space<vmem>>
      %dma_wait3A_568 = tpu.memref_squeeze %dma_wait3A_567 : memref<1x8x1024xf32, #tpu.memory_space<vmem>> -> memref<8x1024xf32, #tpu.memory_space<vmem>>
      %dma_wait3A_569 = arith.constant 0 : i32
      %dma_wait3A_570 = tpu.memref_slice %arg4[%mul3A_2, %dma_wait3A_569] : memref<32768x1024xf32, #tpu.memory_space<hbm>> -> memref<8x1024xf32, #tpu.memory_space<hbm>>
      %dma_wait3A_571 = arith.constant 0 : i32
      %dma_wait3A_572 = tpu.memref_slice %arg4[%mul3A_2, %dma_wait3A_571] : memref<32768x1024xf32, #tpu.memory_space<hbm>> -> memref<8x1024xf32, #tpu.memory_space<hbm>>
      %dma_wait3A_573 = arith.constant 0 : i32
      %dma_wait3A_574 = arith.constant 0 : i32
      %dma_wait3A_575 = tpu.memref_slice %arg6[%dma_wait3A_564, %dma_wait3A_573, %dma_wait3A_574] : memref<8x8x1024xf32, #tpu.memory_space<vmem>> -> memref<1x8x1024xf32, #tpu.memory_space<vmem>>
      %dma_wait3A_576 = tpu.memref_squeeze %dma_wait3A_575 : memref<1x8x1024xf32, #tpu.memory_space<vmem>> -> memref<8x1024xf32, #tpu.memory_space<vmem>>
      tpu.wait_dma2 semaphore(%arg17 : memref<!tpu.dma_semaphore, #tpu.memory_space<semaphore_mem>>) src(%dma_wait3A_576 : memref<8x1024xf32, #tpu.memory_space<vmem>>) dst(%dma_wait3A_572 : memref<8x1024xf32, #tpu.memory_space<hbm>>)
      %add3A_577 = arith.constant 8 : i32
      %add3A_578 = arith.addi %mul3A_392, %add3A_577 : i32
      %add3A_579 = arith.constant 3 : i32
      %add3A_580 = arith.addi %add3A_578, %add3A_579 : i32
      %sub3A_581 = arith.constant 1 : i32
      %sub3A_582 = arith.subi %add3A_580, %sub3A_581 : i32
      %mul3A_583 = arith.constant 8 : i32
      %mul3A_584 = arith.muli %sub3A_582, %mul3A_583 : i32
      %dma_start3A_585 = arith.constant 2 : i32
      %dma_start3A_586 = arith.constant 0 : i32
      %dma_start3A_587 = arith.constant 0 : i32
      %dma_start3A_588 = tpu.memref_slice %arg6[%dma_start3A_585, %dma_start3A_586, %dma_start3A_587] : memref<8x8x1024xf32, #tpu.memory_space<vmem>> -> memref<1x8x1024xf32, #tpu.memory_space<vmem>>
      %dma_start3A_589 = tpu.memref_squeeze %dma_start3A_588 : memref<1x8x1024xf32, #tpu.memory_space<vmem>> -> memref<8x1024xf32, #tpu.memory_space<vmem>>
      %dma_start3A_590 = tpu.memref_slice %arg5[%mul3A_584] : memref<1024xi32, #tpu.memory_space<vmem>> -> memref<8xi32, #tpu.memory_space<vmem>>
      %dma_start3A_591 = arith.constant 0 : i32
      %dma_start3A_592 = arith.constant 0 : i32
      %dma_start3A_593 = tpu.memref_slice %arg3[%dma_start3A_591, %dma_start3A_592] : memref<8192x1024xf32, #tpu.memory_space<hbm>> -> memref<8192x1024xf32, #tpu.memory_space<hbm>>
      tpu.enqueue_indirect_dma source(%dma_start3A_593 : memref<8192x1024xf32, #tpu.memory_space<hbm>>) target(%dma_start3A_589 : memref<8x1024xf32, #tpu.memory_space<vmem>>) offsets(%dma_start3A_590 : memref<8xi32, #tpu.memory_space<vmem>>) semaphore(%arg9 : memref<!tpu.dma_semaphore, #tpu.memory_space<semaphore_mem>>)
      %dma_wait3A_594 = arith.constant 4 : i32
      %dma_wait3A_595 = arith.constant 0 : i32
      %dma_wait3A_596 = arith.constant 0 : i32
      %dma_wait3A_597 = tpu.memref_slice %arg6[%dma_wait3A_594, %dma_wait3A_595, %dma_wait3A_596] : memref<8x8x1024xf32, #tpu.memory_space<vmem>> -> memref<1x8x1024xf32, #tpu.memory_space<vmem>>
      %dma_wait3A_598 = tpu.memref_squeeze %dma_wait3A_597 : memref<1x8x1024xf32, #tpu.memory_space<vmem>> -> memref<8x1024xf32, #tpu.memory_space<vmem>>
      %dma_wait3A_599 = arith.constant 0 : i32
      %dma_wait3A_600 = tpu.memref_slice %arg5[%dma_wait3A_599] : memref<1024xi32, #tpu.memory_space<vmem>> -> memref<8xi32, #tpu.memory_space<vmem>>
      %dma_wait3A_601 = arith.constant 0 : i32
      %dma_wait3A_602 = arith.constant 0 : i32
      %dma_wait3A_603 = tpu.memref_slice %arg3[%dma_wait3A_601, %dma_wait3A_602] : memref<8192x1024xf32, #tpu.memory_space<hbm>> -> memref<8192x1024xf32, #tpu.memory_space<hbm>>
      tpu.wait_indirect_dma semaphore(%arg11 : memref<!tpu.dma_semaphore, #tpu.memory_space<semaphore_mem>>) src(%dma_wait3A_603 : memref<8192x1024xf32, #tpu.memory_space<hbm>>) dst(%dma_wait3A_598 : memref<8x1024xf32, #tpu.memory_space<vmem>>)
      %add3A_604 = arith.constant 4 : i32
      %add3A_605 = arith.addi %mul3A_392, %add3A_604 : i32
      %mul3A_606 = arith.constant 8 : i32
      %mul3A_607 = arith.muli %add3A_605, %mul3A_606 : i32
      %add3A_608 = arith.addi %mul3A_2, %mul3A_607 : i32
      %dma_start3A_609 = arith.constant 4 : i32
      %dma_start3A_610 = arith.constant 0 : i32
      %dma_start3A_611 = arith.constant 0 : i32
      %dma_start3A_612 = tpu.memref_slice %arg6[%dma_start3A_609, %dma_start3A_610, %dma_start3A_611] : memref<8x8x1024xf32, #tpu.memory_space<vmem>> -> memref<1x8x1024xf32, #tpu.memory_space<vmem>>
      %dma_start3A_613 = tpu.memref_squeeze %dma_start3A_612 : memref<1x8x1024xf32, #tpu.memory_space<vmem>> -> memref<8x1024xf32, #tpu.memory_space<vmem>>
      %dma_start3A_614 = arith.constant 0 : i32
      %dma_start3A_615 = tpu.memref_slice %arg4[%add3A_608, %dma_start3A_614] : memref<32768x1024xf32, #tpu.memory_space<hbm>> -> memref<8x1024xf32, #tpu.memory_space<hbm>>
      %dma_start3A_616 = arith.constant 0 : i32
      %dma_start3A_617 = tpu.memref_slice %arg4[%add3A_608, %dma_start3A_616] : memref<32768x1024xf32, #tpu.memory_space<hbm>> -> memref<8x1024xf32, #tpu.memory_space<hbm>>
      %dma_start3A_618 = arith.constant 0 : i32
      %dma_start3A_619 = arith.constant 0 : i32
      %dma_start3A_620 = tpu.memref_slice %arg6[%dma_start3A_609, %dma_start3A_618, %dma_start3A_619] : memref<8x8x1024xf32, #tpu.memory_space<vmem>> -> memref<1x8x1024xf32, #tpu.memory_space<vmem>>
      %dma_start3A_621 = tpu.memref_squeeze %dma_start3A_620 : memref<1x8x1024xf32, #tpu.memory_space<vmem>> -> memref<8x1024xf32, #tpu.memory_space<vmem>>
      tpu.enqueue_dma source(%dma_start3A_621 : memref<8x1024xf32, #tpu.memory_space<vmem>>) target(%dma_start3A_617 : memref<8x1024xf32, #tpu.memory_space<hbm>>) target_semaphore(%arg19 : memref<!tpu.dma_semaphore, #tpu.memory_space<semaphore_mem>>)
      %dma_wait3A_622 = arith.constant 3 : i32
      %dma_wait3A_623 = arith.constant 0 : i32
      %dma_wait3A_624 = arith.constant 0 : i32
      %dma_wait3A_625 = tpu.memref_slice %arg6[%dma_wait3A_622, %dma_wait3A_623, %dma_wait3A_624] : memref<8x8x1024xf32, #tpu.memory_space<vmem>> -> memref<1x8x1024xf32, #tpu.memory_space<vmem>>
      %dma_wait3A_626 = tpu.memref_squeeze %dma_wait3A_625 : memref<1x8x1024xf32, #tpu.memory_space<vmem>> -> memref<8x1024xf32, #tpu.memory_space<vmem>>
      %dma_wait3A_627 = arith.constant 0 : i32
      %dma_wait3A_628 = tpu.memref_slice %arg4[%mul3A_2, %dma_wait3A_627] : memref<32768x1024xf32, #tpu.memory_space<hbm>> -> memref<8x1024xf32, #tpu.memory_space<hbm>>
      %dma_wait3A_629 = arith.constant 0 : i32
      %dma_wait3A_630 = tpu.memref_slice %arg4[%mul3A_2, %dma_wait3A_629] : memref<32768x1024xf32, #tpu.memory_space<hbm>> -> memref<8x1024xf32, #tpu.memory_space<hbm>>
      %dma_wait3A_631 = arith.constant 0 : i32
      %dma_wait3A_632 = arith.constant 0 : i32
      %dma_wait3A_633 = tpu.memref_slice %arg6[%dma_wait3A_622, %dma_wait3A_631, %dma_wait3A_632] : memref<8x8x1024xf32, #tpu.memory_space<vmem>> -> memref<1x8x1024xf32, #tpu.memory_space<vmem>>
      %dma_wait3A_634 = tpu.memref_squeeze %dma_wait3A_633 : memref<1x8x1024xf32, #tpu.memory_space<vmem>> -> memref<8x1024xf32, #tpu.memory_space<vmem>>
      tpu.wait_dma2 semaphore(%arg18 : memref<!tpu.dma_semaphore, #tpu.memory_space<semaphore_mem>>) src(%dma_wait3A_634 : memref<8x1024xf32, #tpu.memory_space<vmem>>) dst(%dma_wait3A_630 : memref<8x1024xf32, #tpu.memory_space<hbm>>)
      %add3A_635 = arith.constant 8 : i32
      %add3A_636 = arith.addi %mul3A_392, %add3A_635 : i32
      %add3A_637 = arith.constant 4 : i32
      %add3A_638 = arith.addi %add3A_636, %add3A_637 : i32
      %sub3A_639 = arith.constant 1 : i32
      %sub3A_640 = arith.subi %add3A_638, %sub3A_639 : i32
      %mul3A_641 = arith.constant 8 : i32
      %mul3A_642 = arith.muli %sub3A_640, %mul3A_641 : i32
      %dma_start3A_643 = arith.constant 3 : i32
      %dma_start3A_644 = arith.constant 0 : i32
      %dma_start3A_645 = arith.constant 0 : i32
      %dma_start3A_646 = tpu.memref_slice %arg6[%dma_start3A_643, %dma_start3A_644, %dma_start3A_645] : memref<8x8x1024xf32, #tpu.memory_space<vmem>> -> memref<1x8x1024xf32, #tpu.memory_space<vmem>>
      %dma_start3A_647 = tpu.memref_squeeze %dma_start3A_646 : memref<1x8x1024xf32, #tpu.memory_space<vmem>> -> memref<8x1024xf32, #tpu.memory_space<vmem>>
      %dma_start3A_648 = tpu.memref_slice %arg5[%mul3A_642] : memref<1024xi32, #tpu.memory_space<vmem>> -> memref<8xi32, #tpu.memory_space<vmem>>
      %dma_start3A_649 = arith.constant 0 : i32
      %dma_start3A_650 = arith.constant 0 : i32
      %dma_start3A_651 = tpu.memref_slice %arg3[%dma_start3A_649, %dma_start3A_650] : memref<8192x1024xf32, #tpu.memory_space<hbm>> -> memref<8192x1024xf32, #tpu.memory_space<hbm>>
      tpu.enqueue_indirect_dma source(%dma_start3A_651 : memref<8192x1024xf32, #tpu.memory_space<hbm>>) target(%dma_start3A_647 : memref<8x1024xf32, #tpu.memory_space<vmem>>) offsets(%dma_start3A_648 : memref<8xi32, #tpu.memory_space<vmem>>) semaphore(%arg10 : memref<!tpu.dma_semaphore, #tpu.memory_space<semaphore_mem>>)
      %dma_wait3A_652 = arith.constant 5 : i32
      %dma_wait3A_653 = arith.constant 0 : i32
      %dma_wait3A_654 = arith.constant 0 : i32
      %dma_wait3A_655 = tpu.memref_slice %arg6[%dma_wait3A_652, %dma_wait3A_653, %dma_wait3A_654] : memref<8x8x1024xf32, #tpu.memory_space<vmem>> -> memref<1x8x1024xf32, #tpu.memory_space<vmem>>
      %dma_wait3A_656 = tpu.memref_squeeze %dma_wait3A_655 : memref<1x8x1024xf32, #tpu.memory_space<vmem>> -> memref<8x1024xf32, #tpu.memory_space<vmem>>
      %dma_wait3A_657 = arith.constant 0 : i32
      %dma_wait3A_658 = tpu.memref_slice %arg5[%dma_wait3A_657] : memref<1024xi32, #tpu.memory_space<vmem>> -> memref<8xi32, #tpu.memory_space<vmem>>
      %dma_wait3A_659 = arith.constant 0 : i32
      %dma_wait3A_660 = arith.constant 0 : i32
      %dma_wait3A_661 = tpu.memref_slice %arg3[%dma_wait3A_659, %dma_wait3A_660] : memref<8192x1024xf32, #tpu.memory_space<hbm>> -> memref<8192x1024xf32, #tpu.memory_space<hbm>>
      tpu.wait_indirect_dma semaphore(%arg12 : memref<!tpu.dma_semaphore, #tpu.memory_space<semaphore_mem>>) src(%dma_wait3A_661 : memref<8192x1024xf32, #tpu.memory_space<hbm>>) dst(%dma_wait3A_656 : memref<8x1024xf32, #tpu.memory_space<vmem>>)
      %add3A_662 = arith.constant 5 : i32
      %add3A_663 = arith.addi %mul3A_392, %add3A_662 : i32
      %mul3A_664 = arith.constant 8 : i32
      %mul3A_665 = arith.muli %add3A_663, %mul3A_664 : i32
      %add3A_666 = arith.addi %mul3A_2, %mul3A_665 : i32
      %dma_start3A_667 = arith.constant 5 : i32
      %dma_start3A_668 = arith.constant 0 : i32
      %dma_start3A_669 = arith.constant 0 : i32
      %dma_start3A_670 = tpu.memref_slice %arg6[%dma_start3A_667, %dma_start3A_668, %dma_start3A_669] : memref<8x8x1024xf32, #tpu.memory_space<vmem>> -> memref<1x8x1024xf32, #tpu.memory_space<vmem>>
      %dma_start3A_671 = tpu.memref_squeeze %dma_start3A_670 : memref<1x8x1024xf32, #tpu.memory_space<vmem>> -> memref<8x1024xf32, #tpu.memory_space<vmem>>
      %dma_start3A_672 = arith.constant 0 : i32
      %dma_start3A_673 = tpu.memref_slice %arg4[%add3A_666, %dma_start3A_672] : memref<32768x1024xf32, #tpu.memory_space<hbm>> -> memref<8x1024xf32, #tpu.memory_space<hbm>>
      %dma_start3A_674 = arith.constant 0 : i32
      %dma_start3A_675 = tpu.memref_slice %arg4[%add3A_666, %dma_start3A_674] : memref<32768x1024xf32, #tpu.memory_space<hbm>> -> memref<8x1024xf32, #tpu.memory_space<hbm>>
      %dma_start3A_676 = arith.constant 0 : i32
      %dma_start3A_677 = arith.constant 0 : i32
      %dma_start3A_678 = tpu.memref_slice %arg6[%dma_start3A_667, %dma_start3A_676, %dma_start3A_677] : memref<8x8x1024xf32, #tpu.memory_space<vmem>> -> memref<1x8x1024xf32, #tpu.memory_space<vmem>>
      %dma_start3A_679 = tpu.memref_squeeze %dma_start3A_678 : memref<1x8x1024xf32, #tpu.memory_space<vmem>> -> memref<8x1024xf32, #tpu.memory_space<vmem>>
      tpu.enqueue_dma source(%dma_start3A_679 : memref<8x1024xf32, #tpu.memory_space<vmem>>) target(%dma_start3A_675 : memref<8x1024xf32, #tpu.memory_space<hbm>>) target_semaphore(%arg20 : memref<!tpu.dma_semaphore, #tpu.memory_space<semaphore_mem>>)
      %dma_wait3A_680 = arith.constant 4 : i32
      %dma_wait3A_681 = arith.constant 0 : i32
      %dma_wait3A_682 = arith.constant 0 : i32
      %dma_wait3A_683 = tpu.memref_slice %arg6[%dma_wait3A_680, %dma_wait3A_681, %dma_wait3A_682] : memref<8x8x1024xf32, #tpu.memory_space<vmem>> -> memref<1x8x1024xf32, #tpu.memory_space<vmem>>
      %dma_wait3A_684 = tpu.memref_squeeze %dma_wait3A_683 : memref<1x8x1024xf32, #tpu.memory_space<vmem>> -> memref<8x1024xf32, #tpu.memory_space<vmem>>
      %dma_wait3A_685 = arith.constant 0 : i32
      %dma_wait3A_686 = tpu.memref_slice %arg4[%mul3A_2, %dma_wait3A_685] : memref<32768x1024xf32, #tpu.memory_space<hbm>> -> memref<8x1024xf32, #tpu.memory_space<hbm>>
      %dma_wait3A_687 = arith.constant 0 : i32
      %dma_wait3A_688 = tpu.memref_slice %arg4[%mul3A_2, %dma_wait3A_687] : memref<32768x1024xf32, #tpu.memory_space<hbm>> -> memref<8x1024xf32, #tpu.memory_space<hbm>>
      %dma_wait3A_689 = arith.constant 0 : i32
      %dma_wait3A_690 = arith.constant 0 : i32
      %dma_wait3A_691 = tpu.memref_slice %arg6[%dma_wait3A_680, %dma_wait3A_689, %dma_wait3A_690] : memref<8x8x1024xf32, #tpu.memory_space<vmem>> -> memref<1x8x1024xf32, #tpu.memory_space<vmem>>
      %dma_wait3A_692 = tpu.memref_squeeze %dma_wait3A_691 : memref<1x8x1024xf32, #tpu.memory_space<vmem>> -> memref<8x1024xf32, #tpu.memory_space<vmem>>
      tpu.wait_dma2 semaphore(%arg19 : memref<!tpu.dma_semaphore, #tpu.memory_space<semaphore_mem>>) src(%dma_wait3A_692 : memref<8x1024xf32, #tpu.memory_space<vmem>>) dst(%dma_wait3A_688 : memref<8x1024xf32, #tpu.memory_space<hbm>>)
      %add3A_693 = arith.constant 8 : i32
      %add3A_694 = arith.addi %mul3A_392, %add3A_693 : i32
      %add3A_695 = arith.constant 5 : i32
      %add3A_696 = arith.addi %add3A_694, %add3A_695 : i32
      %sub3A_697 = arith.constant 1 : i32
      %sub3A_698 = arith.subi %add3A_696, %sub3A_697 : i32
      %mul3A_699 = arith.constant 8 : i32
      %mul3A_700 = arith.muli %sub3A_698, %mul3A_699 : i32
      %dma_start3A_701 = arith.constant 4 : i32
      %dma_start3A_702 = arith.constant 0 : i32
      %dma_start3A_703 = arith.constant 0 : i32
      %dma_start3A_704 = tpu.memref_slice %arg6[%dma_start3A_701, %dma_start3A_702, %dma_start3A_703] : memref<8x8x1024xf32, #tpu.memory_space<vmem>> -> memref<1x8x1024xf32, #tpu.memory_space<vmem>>
      %dma_start3A_705 = tpu.memref_squeeze %dma_start3A_704 : memref<1x8x1024xf32, #tpu.memory_space<vmem>> -> memref<8x1024xf32, #tpu.memory_space<vmem>>
      %dma_start3A_706 = tpu.memref_slice %arg5[%mul3A_700] : memref<1024xi32, #tpu.memory_space<vmem>> -> memref<8xi32, #tpu.memory_space<vmem>>
      %dma_start3A_707 = arith.constant 0 : i32
      %dma_start3A_708 = arith.constant 0 : i32
      %dma_start3A_709 = tpu.memref_slice %arg3[%dma_start3A_707, %dma_start3A_708] : memref<8192x1024xf32, #tpu.memory_space<hbm>> -> memref<8192x1024xf32, #tpu.memory_space<hbm>>
      tpu.enqueue_indirect_dma source(%dma_start3A_709 : memref<8192x1024xf32, #tpu.memory_space<hbm>>) target(%dma_start3A_705 : memref<8x1024xf32, #tpu.memory_space<vmem>>) offsets(%dma_start3A_706 : memref<8xi32, #tpu.memory_space<vmem>>) semaphore(%arg11 : memref<!tpu.dma_semaphore, #tpu.memory_space<semaphore_mem>>)
      %dma_wait3A_710 = arith.constant 6 : i32
      %dma_wait3A_711 = arith.constant 0 : i32
      %dma_wait3A_712 = arith.constant 0 : i32
      %dma_wait3A_713 = tpu.memref_slice %arg6[%dma_wait3A_710, %dma_wait3A_711, %dma_wait3A_712] : memref<8x8x1024xf32, #tpu.memory_space<vmem>> -> memref<1x8x1024xf32, #tpu.memory_space<vmem>>
      %dma_wait3A_714 = tpu.memref_squeeze %dma_wait3A_713 : memref<1x8x1024xf32, #tpu.memory_space<vmem>> -> memref<8x1024xf32, #tpu.memory_space<vmem>>
      %dma_wait3A_715 = arith.constant 0 : i32
      %dma_wait3A_716 = tpu.memref_slice %arg5[%dma_wait3A_715] : memref<1024xi32, #tpu.memory_space<vmem>> -> memref<8xi32, #tpu.memory_space<vmem>>
      %dma_wait3A_717 = arith.constant 0 : i32
      %dma_wait3A_718 = arith.constant 0 : i32
      %dma_wait3A_719 = tpu.memref_slice %arg3[%dma_wait3A_717, %dma_wait3A_718] : memref<8192x1024xf32, #tpu.memory_space<hbm>> -> memref<8192x1024xf32, #tpu.memory_space<hbm>>
      tpu.wait_indirect_dma semaphore(%arg13 : memref<!tpu.dma_semaphore, #tpu.memory_space<semaphore_mem>>) src(%dma_wait3A_719 : memref<8192x1024xf32, #tpu.memory_space<hbm>>) dst(%dma_wait3A_714 : memref<8x1024xf32, #tpu.memory_space<vmem>>)
      %add3A_720 = arith.constant 6 : i32
      %add3A_721 = arith.addi %mul3A_392, %add3A_720 : i32
      %mul3A_722 = arith.constant 8 : i32
      %mul3A_723 = arith.muli %add3A_721, %mul3A_722 : i32
      %add3A_724 = arith.addi %mul3A_2, %mul3A_723 : i32
      %dma_start3A_725 = arith.constant 6 : i32
      %dma_start3A_726 = arith.constant 0 : i32
      %dma_start3A_727 = arith.constant 0 : i32
      %dma_start3A_728 = tpu.memref_slice %arg6[%dma_start3A_725, %dma_start3A_726, %dma_start3A_727] : memref<8x8x1024xf32, #tpu.memory_space<vmem>> -> memref<1x8x1024xf32, #tpu.memory_space<vmem>>
      %dma_start3A_729 = tpu.memref_squeeze %dma_start3A_728 : memref<1x8x1024xf32, #tpu.memory_space<vmem>> -> memref<8x1024xf32, #tpu.memory_space<vmem>>
      %dma_start3A_730 = arith.constant 0 : i32
      %dma_start3A_731 = tpu.memref_slice %arg4[%add3A_724, %dma_start3A_730] : memref<32768x1024xf32, #tpu.memory_space<hbm>> -> memref<8x1024xf32, #tpu.memory_space<hbm>>
      %dma_start3A_732 = arith.constant 0 : i32
      %dma_start3A_733 = tpu.memref_slice %arg4[%add3A_724, %dma_start3A_732] : memref<32768x1024xf32, #tpu.memory_space<hbm>> -> memref<8x1024xf32, #tpu.memory_space<hbm>>
      %dma_start3A_734 = arith.constant 0 : i32
      %dma_start3A_735 = arith.constant 0 : i32
      %dma_start3A_736 = tpu.memref_slice %arg6[%dma_start3A_725, %dma_start3A_734, %dma_start3A_735] : memref<8x8x1024xf32, #tpu.memory_space<vmem>> -> memref<1x8x1024xf32, #tpu.memory_space<vmem>>
      %dma_start3A_737 = tpu.memref_squeeze %dma_start3A_736 : memref<1x8x1024xf32, #tpu.memory_space<vmem>> -> memref<8x1024xf32, #tpu.memory_space<vmem>>
      tpu.enqueue_dma source(%dma_start3A_737 : memref<8x1024xf32, #tpu.memory_space<vmem>>) target(%dma_start3A_733 : memref<8x1024xf32, #tpu.memory_space<hbm>>) target_semaphore(%arg21 : memref<!tpu.dma_semaphore, #tpu.memory_space<semaphore_mem>>)
      %dma_wait3A_738 = arith.constant 5 : i32
      %dma_wait3A_739 = arith.constant 0 : i32
      %dma_wait3A_740 = arith.constant 0 : i32
      %dma_wait3A_741 = tpu.memref_slice %arg6[%dma_wait3A_738, %dma_wait3A_739, %dma_wait3A_740] : memref<8x8x1024xf32, #tpu.memory_space<vmem>> -> memref<1x8x1024xf32, #tpu.memory_space<vmem>>
      %dma_wait3A_742 = tpu.memref_squeeze %dma_wait3A_741 : memref<1x8x1024xf32, #tpu.memory_space<vmem>> -> memref<8x1024xf32, #tpu.memory_space<vmem>>
      %dma_wait3A_743 = arith.constant 0 : i32
      %dma_wait3A_744 = tpu.memref_slice %arg4[%mul3A_2, %dma_wait3A_743] : memref<32768x1024xf32, #tpu.memory_space<hbm>> -> memref<8x1024xf32, #tpu.memory_space<hbm>>
      %dma_wait3A_745 = arith.constant 0 : i32
      %dma_wait3A_746 = tpu.memref_slice %arg4[%mul3A_2, %dma_wait3A_745] : memref<32768x1024xf32, #tpu.memory_space<hbm>> -> memref<8x1024xf32, #tpu.memory_space<hbm>>
      %dma_wait3A_747 = arith.constant 0 : i32
      %dma_wait3A_748 = arith.constant 0 : i32
      %dma_wait3A_749 = tpu.memref_slice %arg6[%dma_wait3A_738, %dma_wait3A_747, %dma_wait3A_748] : memref<8x8x1024xf32, #tpu.memory_space<vmem>> -> memref<1x8x1024xf32, #tpu.memory_space<vmem>>
      %dma_wait3A_750 = tpu.memref_squeeze %dma_wait3A_749 : memref<1x8x1024xf32, #tpu.memory_space<vmem>> -> memref<8x1024xf32, #tpu.memory_space<vmem>>
      tpu.wait_dma2 semaphore(%arg20 : memref<!tpu.dma_semaphore, #tpu.memory_space<semaphore_mem>>) src(%dma_wait3A_750 : memref<8x1024xf32, #tpu.memory_space<vmem>>) dst(%dma_wait3A_746 : memref<8x1024xf32, #tpu.memory_space<hbm>>)
      %add3A_751 = arith.constant 8 : i32
      %add3A_752 = arith.addi %mul3A_392, %add3A_751 : i32
      %add3A_753 = arith.constant 6 : i32
      %add3A_754 = arith.addi %add3A_752, %add3A_753 : i32
      %sub3A_755 = arith.constant 1 : i32
      %sub3A_756 = arith.subi %add3A_754, %sub3A_755 : i32
      %mul3A_757 = arith.constant 8 : i32
      %mul3A_758 = arith.muli %sub3A_756, %mul3A_757 : i32
      %dma_start3A_759 = arith.constant 5 : i32
      %dma_start3A_760 = arith.constant 0 : i32
      %dma_start3A_761 = arith.constant 0 : i32
      %dma_start3A_762 = tpu.memref_slice %arg6[%dma_start3A_759, %dma_start3A_760, %dma_start3A_761] : memref<8x8x1024xf32, #tpu.memory_space<vmem>> -> memref<1x8x1024xf32, #tpu.memory_space<vmem>>
      %dma_start3A_763 = tpu.memref_squeeze %dma_start3A_762 : memref<1x8x1024xf32, #tpu.memory_space<vmem>> -> memref<8x1024xf32, #tpu.memory_space<vmem>>
      %dma_start3A_764 = tpu.memref_slice %arg5[%mul3A_758] : memref<1024xi32, #tpu.memory_space<vmem>> -> memref<8xi32, #tpu.memory_space<vmem>>
      %dma_start3A_765 = arith.constant 0 : i32
      %dma_start3A_766 = arith.constant 0 : i32
      %dma_start3A_767 = tpu.memref_slice %arg3[%dma_start3A_765, %dma_start3A_766] : memref<8192x1024xf32, #tpu.memory_space<hbm>> -> memref<8192x1024xf32, #tpu.memory_space<hbm>>
      tpu.enqueue_indirect_dma source(%dma_start3A_767 : memref<8192x1024xf32, #tpu.memory_space<hbm>>) target(%dma_start3A_763 : memref<8x1024xf32, #tpu.memory_space<vmem>>) offsets(%dma_start3A_764 : memref<8xi32, #tpu.memory_space<vmem>>) semaphore(%arg12 : memref<!tpu.dma_semaphore, #tpu.memory_space<semaphore_mem>>)
      %dma_wait3A_768 = arith.constant 7 : i32
      %dma_wait3A_769 = arith.constant 0 : i32
      %dma_wait3A_770 = arith.constant 0 : i32
      %dma_wait3A_771 = tpu.memref_slice %arg6[%dma_wait3A_768, %dma_wait3A_769, %dma_wait3A_770] : memref<8x8x1024xf32, #tpu.memory_space<vmem>> -> memref<1x8x1024xf32, #tpu.memory_space<vmem>>
      %dma_wait3A_772 = tpu.memref_squeeze %dma_wait3A_771 : memref<1x8x1024xf32, #tpu.memory_space<vmem>> -> memref<8x1024xf32, #tpu.memory_space<vmem>>
      %dma_wait3A_773 = arith.constant 0 : i32
      %dma_wait3A_774 = tpu.memref_slice %arg5[%dma_wait3A_773] : memref<1024xi32, #tpu.memory_space<vmem>> -> memref<8xi32, #tpu.memory_space<vmem>>
      %dma_wait3A_775 = arith.constant 0 : i32
      %dma_wait3A_776 = arith.constant 0 : i32
      %dma_wait3A_777 = tpu.memref_slice %arg3[%dma_wait3A_775, %dma_wait3A_776] : memref<8192x1024xf32, #tpu.memory_space<hbm>> -> memref<8192x1024xf32, #tpu.memory_space<hbm>>
      tpu.wait_indirect_dma semaphore(%arg14 : memref<!tpu.dma_semaphore, #tpu.memory_space<semaphore_mem>>) src(%dma_wait3A_777 : memref<8192x1024xf32, #tpu.memory_space<hbm>>) dst(%dma_wait3A_772 : memref<8x1024xf32, #tpu.memory_space<vmem>>)
      %add3A_778 = arith.constant 7 : i32
      %add3A_779 = arith.addi %mul3A_392, %add3A_778 : i32
      %mul3A_780 = arith.constant 8 : i32
      %mul3A_781 = arith.muli %add3A_779, %mul3A_780 : i32
      %add3A_782 = arith.addi %mul3A_2, %mul3A_781 : i32
      %dma_start3A_783 = arith.constant 7 : i32
      %dma_start3A_784 = arith.constant 0 : i32
      %dma_start3A_785 = arith.constant 0 : i32
      %dma_start3A_786 = tpu.memref_slice %arg6[%dma_start3A_783, %dma_start3A_784, %dma_start3A_785] : memref<8x8x1024xf32, #tpu.memory_space<vmem>> -> memref<1x8x1024xf32, #tpu.memory_space<vmem>>
      %dma_start3A_787 = tpu.memref_squeeze %dma_start3A_786 : memref<1x8x1024xf32, #tpu.memory_space<vmem>> -> memref<8x1024xf32, #tpu.memory_space<vmem>>
      %dma_start3A_788 = arith.constant 0 : i32
      %dma_start3A_789 = tpu.memref_slice %arg4[%add3A_782, %dma_start3A_788] : memref<32768x1024xf32, #tpu.memory_space<hbm>> -> memref<8x1024xf32, #tpu.memory_space<hbm>>
      %dma_start3A_790 = arith.constant 0 : i32
      %dma_start3A_791 = tpu.memref_slice %arg4[%add3A_782, %dma_start3A_790] : memref<32768x1024xf32, #tpu.memory_space<hbm>> -> memref<8x1024xf32, #tpu.memory_space<hbm>>
      %dma_start3A_792 = arith.constant 0 : i32
      %dma_start3A_793 = arith.constant 0 : i32
      %dma_start3A_794 = tpu.memref_slice %arg6[%dma_start3A_783, %dma_start3A_792, %dma_start3A_793] : memref<8x8x1024xf32, #tpu.memory_space<vmem>> -> memref<1x8x1024xf32, #tpu.memory_space<vmem>>
      %dma_start3A_795 = tpu.memref_squeeze %dma_start3A_794 : memref<1x8x1024xf32, #tpu.memory_space<vmem>> -> memref<8x1024xf32, #tpu.memory_space<vmem>>
      tpu.enqueue_dma source(%dma_start3A_795 : memref<8x1024xf32, #tpu.memory_space<vmem>>) target(%dma_start3A_791 : memref<8x1024xf32, #tpu.memory_space<hbm>>) target_semaphore(%arg22 : memref<!tpu.dma_semaphore, #tpu.memory_space<semaphore_mem>>)
      %dma_wait3A_796 = arith.constant 6 : i32
      %dma_wait3A_797 = arith.constant 0 : i32
      %dma_wait3A_798 = arith.constant 0 : i32
      %dma_wait3A_799 = tpu.memref_slice %arg6[%dma_wait3A_796, %dma_wait3A_797, %dma_wait3A_798] : memref<8x8x1024xf32, #tpu.memory_space<vmem>> -> memref<1x8x1024xf32, #tpu.memory_space<vmem>>
      %dma_wait3A_800 = tpu.memref_squeeze %dma_wait3A_799 : memref<1x8x1024xf32, #tpu.memory_space<vmem>> -> memref<8x1024xf32, #tpu.memory_space<vmem>>
      %dma_wait3A_801 = arith.constant 0 : i32
      %dma_wait3A_802 = tpu.memref_slice %arg4[%mul3A_2, %dma_wait3A_801] : memref<32768x1024xf32, #tpu.memory_space<hbm>> -> memref<8x1024xf32, #tpu.memory_space<hbm>>
      %dma_wait3A_803 = arith.constant 0 : i32
      %dma_wait3A_804 = tpu.memref_slice %arg4[%mul3A_2, %dma_wait3A_803] : memref<32768x1024xf32, #tpu.memory_space<hbm>> -> memref<8x1024xf32, #tpu.memory_space<hbm>>
      %dma_wait3A_805 = arith.constant 0 : i32
      %dma_wait3A_806 = arith.constant 0 : i32
      %dma_wait3A_807 = tpu.memref_slice %arg6[%dma_wait3A_796, %dma_wait3A_805, %dma_wait3A_806] : memref<8x8x1024xf32, #tpu.memory_space<vmem>> -> memref<1x8x1024xf32, #tpu.memory_space<vmem>>
      %dma_wait3A_808 = tpu.memref_squeeze %dma_wait3A_807 : memref<1x8x1024xf32, #tpu.memory_space<vmem>> -> memref<8x1024xf32, #tpu.memory_space<vmem>>
      tpu.wait_dma2 semaphore(%arg21 : memref<!tpu.dma_semaphore, #tpu.memory_space<semaphore_mem>>) src(%dma_wait3A_808 : memref<8x1024xf32, #tpu.memory_space<vmem>>) dst(%dma_wait3A_804 : memref<8x1024xf32, #tpu.memory_space<hbm>>)
      %add3A_809 = arith.constant 8 : i32
      %add3A_810 = arith.addi %mul3A_392, %add3A_809 : i32
      %add3A_811 = arith.constant 7 : i32
      %add3A_812 = arith.addi %add3A_810, %add3A_811 : i32
      %sub3A_813 = arith.constant 1 : i32
      %sub3A_814 = arith.subi %add3A_812, %sub3A_813 : i32
      %mul3A_815 = arith.constant 8 : i32
      %mul3A_816 = arith.muli %sub3A_814, %mul3A_815 : i32
      %dma_start3A_817 = arith.constant 6 : i32
      %dma_start3A_818 = arith.constant 0 : i32
      %dma_start3A_819 = arith.constant 0 : i32
      %dma_start3A_820 = tpu.memref_slice %arg6[%dma_start3A_817, %dma_start3A_818, %dma_start3A_819] : memref<8x8x1024xf32, #tpu.memory_space<vmem>> -> memref<1x8x1024xf32, #tpu.memory_space<vmem>>
      %dma_start3A_821 = tpu.memref_squeeze %dma_start3A_820 : memref<1x8x1024xf32, #tpu.memory_space<vmem>> -> memref<8x1024xf32, #tpu.memory_space<vmem>>
      %dma_start3A_822 = tpu.memref_slice %arg5[%mul3A_816] : memref<1024xi32, #tpu.memory_space<vmem>> -> memref<8xi32, #tpu.memory_space<vmem>>
      %dma_start3A_823 = arith.constant 0 : i32
      %dma_start3A_824 = arith.constant 0 : i32
      %dma_start3A_825 = tpu.memref_slice %arg3[%dma_start3A_823, %dma_start3A_824] : memref<8192x1024xf32, #tpu.memory_space<hbm>> -> memref<8192x1024xf32, #tpu.memory_space<hbm>>
      tpu.enqueue_indirect_dma source(%dma_start3A_825 : memref<8192x1024xf32, #tpu.memory_space<hbm>>) target(%dma_start3A_821 : memref<8x1024xf32, #tpu.memory_space<vmem>>) offsets(%dma_start3A_822 : memref<8xi32, #tpu.memory_space<vmem>>) semaphore(%arg13 : memref<!tpu.dma_semaphore, #tpu.memory_space<semaphore_mem>>)
      %dma_wait3A_826 = arith.constant 7 : i32
      %dma_wait3A_827 = arith.constant 0 : i32
      %dma_wait3A_828 = arith.constant 0 : i32
      %dma_wait3A_829 = tpu.memref_slice %arg6[%dma_wait3A_826, %dma_wait3A_827, %dma_wait3A_828] : memref<8x8x1024xf32, #tpu.memory_space<vmem>> -> memref<1x8x1024xf32, #tpu.memory_space<vmem>>
      %dma_wait3A_830 = tpu.memref_squeeze %dma_wait3A_829 : memref<1x8x1024xf32, #tpu.memory_space<vmem>> -> memref<8x1024xf32, #tpu.memory_space<vmem>>
      %dma_wait3A_831 = arith.constant 0 : i32
      %dma_wait3A_832 = tpu.memref_slice %arg4[%mul3A_2, %dma_wait3A_831] : memref<32768x1024xf32, #tpu.memory_space<hbm>> -> memref<8x1024xf32, #tpu.memory_space<hbm>>
      %dma_wait3A_833 = arith.constant 0 : i32
      %dma_wait3A_834 = tpu.memref_slice %arg4[%mul3A_2, %dma_wait3A_833] : memref<32768x1024xf32, #tpu.memory_space<hbm>> -> memref<8x1024xf32, #tpu.memory_space<hbm>>
      %dma_wait3A_835 = arith.constant 0 : i32
      %dma_wait3A_836 = arith.constant 0 : i32
      %dma_wait3A_837 = tpu.memref_slice %arg6[%dma_wait3A_826, %dma_wait3A_835, %dma_wait3A_836] : memref<8x8x1024xf32, #tpu.memory_space<vmem>> -> memref<1x8x1024xf32, #tpu.memory_space<vmem>>
      %dma_wait3A_838 = tpu.memref_squeeze %dma_wait3A_837 : memref<1x8x1024xf32, #tpu.memory_space<vmem>> -> memref<8x1024xf32, #tpu.memory_space<vmem>>
      tpu.wait_dma2 semaphore(%arg22 : memref<!tpu.dma_semaphore, #tpu.memory_space<semaphore_mem>>) src(%dma_wait3A_838 : memref<8x1024xf32, #tpu.memory_space<vmem>>) dst(%dma_wait3A_834 : memref<8x1024xf32, #tpu.memory_space<hbm>>)
      %add3A_839 = arith.constant 8 : i32
      %add3A_840 = arith.addi %mul3A_392, %add3A_839 : i32
      %add3A_841 = arith.constant 7 : i32
      %add3A_842 = arith.addi %add3A_840, %add3A_841 : i32
      %mul3A_843 = arith.constant 8 : i32
      %mul3A_844 = arith.muli %add3A_842, %mul3A_843 : i32
      %dma_start3A_845 = arith.constant 7 : i32
      %dma_start3A_846 = arith.constant 0 : i32
      %dma_start3A_847 = arith.constant 0 : i32
      %dma_start3A_848 = tpu.memref_slice %arg6[%dma_start3A_845, %dma_start3A_846, %dma_start3A_847] : memref<8x8x1024xf32, #tpu.memory_space<vmem>> -> memref<1x8x1024xf32, #tpu.memory_space<vmem>>
      %dma_start3A_849 = tpu.memref_squeeze %dma_start3A_848 : memref<1x8x1024xf32, #tpu.memory_space<vmem>> -> memref<8x1024xf32, #tpu.memory_space<vmem>>
      %dma_start3A_850 = tpu.memref_slice %arg5[%mul3A_844] : memref<1024xi32, #tpu.memory_space<vmem>> -> memref<8xi32, #tpu.memory_space<vmem>>
      %dma_start3A_851 = arith.constant 0 : i32
      %dma_start3A_852 = arith.constant 0 : i32
      %dma_start3A_853 = tpu.memref_slice %arg3[%dma_start3A_851, %dma_start3A_852] : memref<8192x1024xf32, #tpu.memory_space<hbm>> -> memref<8192x1024xf32, #tpu.memory_space<hbm>>
      tpu.enqueue_indirect_dma source(%dma_start3A_853 : memref<8192x1024xf32, #tpu.memory_space<hbm>>) target(%dma_start3A_849 : memref<8x1024xf32, #tpu.memory_space<vmem>>) offsets(%dma_start3A_850 : memref<8xi32, #tpu.memory_space<vmem>>) semaphore(%arg14 : memref<!tpu.dma_semaphore, #tpu.memory_space<semaphore_mem>>)
    }
    %scan3A_86 = arith.constant 15 : i32
    %dma_wait3A = arith.constant 0 : i32
    %dma_wait3A_87 = arith.constant 0 : i32
    %dma_wait3A_88 = arith.constant 0 : i32
    %dma_wait3A_89 = tpu.memref_slice %arg6[%dma_wait3A, %dma_wait3A_87, %dma_wait3A_88] : memref<8x8x1024xf32, #tpu.memory_space<vmem>> -> memref<1x8x1024xf32, #tpu.memory_space<vmem>>
    %dma_wait3A_90 = tpu.memref_squeeze %dma_wait3A_89 : memref<1x8x1024xf32, #tpu.memory_space<vmem>> -> memref<8x1024xf32, #tpu.memory_space<vmem>>
    %dma_wait3A_91 = arith.constant 0 : i32
    %dma_wait3A_92 = tpu.memref_slice %arg5[%dma_wait3A_91] : memref<1024xi32, #tpu.memory_space<vmem>> -> memref<8xi32, #tpu.memory_space<vmem>>
    %dma_wait3A_93 = arith.constant 0 : i32
    %dma_wait3A_94 = arith.constant 0 : i32
    %dma_wait3A_95 = tpu.memref_slice %arg3[%dma_wait3A_93, %dma_wait3A_94] : memref<8192x1024xf32, #tpu.memory_space<hbm>> -> memref<8192x1024xf32, #tpu.memory_space<hbm>>
    tpu.wait_indirect_dma semaphore(%arg7 : memref<!tpu.dma_semaphore, #tpu.memory_space<semaphore_mem>>) src(%dma_wait3A_95 : memref<8192x1024xf32, #tpu.memory_space<hbm>>) dst(%dma_wait3A_90 : memref<8x1024xf32, #tpu.memory_space<vmem>>)
    %add3A_96 = arith.constant 960 : i32
    %add3A_97 = arith.addi %mul3A_2, %add3A_96 : i32
    %dma_start3A_98 = arith.constant 0 : i32
    %dma_start3A_99 = arith.constant 0 : i32
    %dma_start3A_100 = arith.constant 0 : i32
    %dma_start3A_101 = tpu.memref_slice %arg6[%dma_start3A_98, %dma_start3A_99, %dma_start3A_100] : memref<8x8x1024xf32, #tpu.memory_space<vmem>> -> memref<1x8x1024xf32, #tpu.memory_space<vmem>>
    %dma_start3A_102 = tpu.memref_squeeze %dma_start3A_101 : memref<1x8x1024xf32, #tpu.memory_space<vmem>> -> memref<8x1024xf32, #tpu.memory_space<vmem>>
    %dma_start3A_103 = arith.constant 0 : i32
    %dma_start3A_104 = tpu.memref_slice %arg4[%add3A_97, %dma_start3A_103] : memref<32768x1024xf32, #tpu.memory_space<hbm>> -> memref<8x1024xf32, #tpu.memory_space<hbm>>
    %dma_start3A_105 = arith.constant 0 : i32
    %dma_start3A_106 = tpu.memref_slice %arg4[%add3A_97, %dma_start3A_105] : memref<32768x1024xf32, #tpu.memory_space<hbm>> -> memref<8x1024xf32, #tpu.memory_space<hbm>>
    %dma_start3A_107 = arith.constant 0 : i32
    %dma_start3A_108 = arith.constant 0 : i32
    %dma_start3A_109 = tpu.memref_slice %arg6[%dma_start3A_98, %dma_start3A_107, %dma_start3A_108] : memref<8x8x1024xf32, #tpu.memory_space<vmem>> -> memref<1x8x1024xf32, #tpu.memory_space<vmem>>
    %dma_start3A_110 = tpu.memref_squeeze %dma_start3A_109 : memref<1x8x1024xf32, #tpu.memory_space<vmem>> -> memref<8x1024xf32, #tpu.memory_space<vmem>>
    tpu.enqueue_dma source(%dma_start3A_110 : memref<8x1024xf32, #tpu.memory_space<vmem>>) target(%dma_start3A_106 : memref<8x1024xf32, #tpu.memory_space<hbm>>) target_semaphore(%arg15 : memref<!tpu.dma_semaphore, #tpu.memory_space<semaphore_mem>>)
    %dma_wait3A_111 = arith.constant 1 : i32
    %dma_wait3A_112 = arith.constant 0 : i32
    %dma_wait3A_113 = arith.constant 0 : i32
    %dma_wait3A_114 = tpu.memref_slice %arg6[%dma_wait3A_111, %dma_wait3A_112, %dma_wait3A_113] : memref<8x8x1024xf32, #tpu.memory_space<vmem>> -> memref<1x8x1024xf32, #tpu.memory_space<vmem>>
    %dma_wait3A_115 = tpu.memref_squeeze %dma_wait3A_114 : memref<1x8x1024xf32, #tpu.memory_space<vmem>> -> memref<8x1024xf32, #tpu.memory_space<vmem>>
    %dma_wait3A_116 = arith.constant 0 : i32
    %dma_wait3A_117 = tpu.memref_slice %arg5[%dma_wait3A_116] : memref<1024xi32, #tpu.memory_space<vmem>> -> memref<8xi32, #tpu.memory_space<vmem>>
    %dma_wait3A_118 = arith.constant 0 : i32
    %dma_wait3A_119 = arith.constant 0 : i32
    %dma_wait3A_120 = tpu.memref_slice %arg3[%dma_wait3A_118, %dma_wait3A_119] : memref<8192x1024xf32, #tpu.memory_space<hbm>> -> memref<8192x1024xf32, #tpu.memory_space<hbm>>
    tpu.wait_indirect_dma semaphore(%arg8 : memref<!tpu.dma_semaphore, #tpu.memory_space<semaphore_mem>>) src(%dma_wait3A_120 : memref<8192x1024xf32, #tpu.memory_space<hbm>>) dst(%dma_wait3A_115 : memref<8x1024xf32, #tpu.memory_space<vmem>>)
    %add3A_121 = arith.constant 968 : i32
    %add3A_122 = arith.addi %mul3A_2, %add3A_121 : i32
    %dma_start3A_123 = arith.constant 1 : i32
    %dma_start3A_124 = arith.constant 0 : i32
    %dma_start3A_125 = arith.constant 0 : i32
    %dma_start3A_126 = tpu.memref_slice %arg6[%dma_start3A_123, %dma_start3A_124, %dma_start3A_125] : memref<8x8x1024xf32, #tpu.memory_space<vmem>> -> memref<1x8x1024xf32, #tpu.memory_space<vmem>>
    %dma_start3A_127 = tpu.memref_squeeze %dma_start3A_126 : memref<1x8x1024xf32, #tpu.memory_space<vmem>> -> memref<8x1024xf32, #tpu.memory_space<vmem>>
    %dma_start3A_128 = arith.constant 0 : i32
    %dma_start3A_129 = tpu.memref_slice %arg4[%add3A_122, %dma_start3A_128] : memref<32768x1024xf32, #tpu.memory_space<hbm>> -> memref<8x1024xf32, #tpu.memory_space<hbm>>
    %dma_start3A_130 = arith.constant 0 : i32
    %dma_start3A_131 = tpu.memref_slice %arg4[%add3A_122, %dma_start3A_130] : memref<32768x1024xf32, #tpu.memory_space<hbm>> -> memref<8x1024xf32, #tpu.memory_space<hbm>>
    %dma_start3A_132 = arith.constant 0 : i32
    %dma_start3A_133 = arith.constant 0 : i32
    %dma_start3A_134 = tpu.memref_slice %arg6[%dma_start3A_123, %dma_start3A_132, %dma_start3A_133] : memref<8x8x1024xf32, #tpu.memory_space<vmem>> -> memref<1x8x1024xf32, #tpu.memory_space<vmem>>
    %dma_start3A_135 = tpu.memref_squeeze %dma_start3A_134 : memref<1x8x1024xf32, #tpu.memory_space<vmem>> -> memref<8x1024xf32, #tpu.memory_space<vmem>>
    tpu.enqueue_dma source(%dma_start3A_135 : memref<8x1024xf32, #tpu.memory_space<vmem>>) target(%dma_start3A_131 : memref<8x1024xf32, #tpu.memory_space<hbm>>) target_semaphore(%arg16 : memref<!tpu.dma_semaphore, #tpu.memory_space<semaphore_mem>>)
    %dma_wait3A_136 = arith.constant 2 : i32
    %dma_wait3A_137 = arith.constant 0 : i32
    %dma_wait3A_138 = arith.constant 0 : i32
    %dma_wait3A_139 = tpu.memref_slice %arg6[%dma_wait3A_136, %dma_wait3A_137, %dma_wait3A_138] : memref<8x8x1024xf32, #tpu.memory_space<vmem>> -> memref<1x8x1024xf32, #tpu.memory_space<vmem>>
    %dma_wait3A_140 = tpu.memref_squeeze %dma_wait3A_139 : memref<1x8x1024xf32, #tpu.memory_space<vmem>> -> memref<8x1024xf32, #tpu.memory_space<vmem>>
    %dma_wait3A_141 = arith.constant 0 : i32
    %dma_wait3A_142 = tpu.memref_slice %arg5[%dma_wait3A_141] : memref<1024xi32, #tpu.memory_space<vmem>> -> memref<8xi32, #tpu.memory_space<vmem>>
    %dma_wait3A_143 = arith.constant 0 : i32
    %dma_wait3A_144 = arith.constant 0 : i32
    %dma_wait3A_145 = tpu.memref_slice %arg3[%dma_wait3A_143, %dma_wait3A_144] : memref<8192x1024xf32, #tpu.memory_space<hbm>> -> memref<8192x1024xf32, #tpu.memory_space<hbm>>
    tpu.wait_indirect_dma semaphore(%arg9 : memref<!tpu.dma_semaphore, #tpu.memory_space<semaphore_mem>>) src(%dma_wait3A_145 : memref<8192x1024xf32, #tpu.memory_space<hbm>>) dst(%dma_wait3A_140 : memref<8x1024xf32, #tpu.memory_space<vmem>>)
    %add3A_146 = arith.constant 976 : i32
    %add3A_147 = arith.addi %mul3A_2, %add3A_146 : i32
    %dma_start3A_148 = arith.constant 2 : i32
    %dma_start3A_149 = arith.constant 0 : i32
    %dma_start3A_150 = arith.constant 0 : i32
    %dma_start3A_151 = tpu.memref_slice %arg6[%dma_start3A_148, %dma_start3A_149, %dma_start3A_150] : memref<8x8x1024xf32, #tpu.memory_space<vmem>> -> memref<1x8x1024xf32, #tpu.memory_space<vmem>>
    %dma_start3A_152 = tpu.memref_squeeze %dma_start3A_151 : memref<1x8x1024xf32, #tpu.memory_space<vmem>> -> memref<8x1024xf32, #tpu.memory_space<vmem>>
    %dma_start3A_153 = arith.constant 0 : i32
    %dma_start3A_154 = tpu.memref_slice %arg4[%add3A_147, %dma_start3A_153] : memref<32768x1024xf32, #tpu.memory_space<hbm>> -> memref<8x1024xf32, #tpu.memory_space<hbm>>
    %dma_start3A_155 = arith.constant 0 : i32
    %dma_start3A_156 = tpu.memref_slice %arg4[%add3A_147, %dma_start3A_155] : memref<32768x1024xf32, #tpu.memory_space<hbm>> -> memref<8x1024xf32, #tpu.memory_space<hbm>>
    %dma_start3A_157 = arith.constant 0 : i32
    %dma_start3A_158 = arith.constant 0 : i32
    %dma_start3A_159 = tpu.memref_slice %arg6[%dma_start3A_148, %dma_start3A_157, %dma_start3A_158] : memref<8x8x1024xf32, #tpu.memory_space<vmem>> -> memref<1x8x1024xf32, #tpu.memory_space<vmem>>
    %dma_start3A_160 = tpu.memref_squeeze %dma_start3A_159 : memref<1x8x1024xf32, #tpu.memory_space<vmem>> -> memref<8x1024xf32, #tpu.memory_space<vmem>>
    tpu.enqueue_dma source(%dma_start3A_160 : memref<8x1024xf32, #tpu.memory_space<vmem>>) target(%dma_start3A_156 : memref<8x1024xf32, #tpu.memory_space<hbm>>) target_semaphore(%arg17 : memref<!tpu.dma_semaphore, #tpu.memory_space<semaphore_mem>>)
    %dma_wait3A_161 = arith.constant 3 : i32
    %dma_wait3A_162 = arith.constant 0 : i32
    %dma_wait3A_163 = arith.constant 0 : i32
    %dma_wait3A_164 = tpu.memref_slice %arg6[%dma_wait3A_161, %dma_wait3A_162, %dma_wait3A_163] : memref<8x8x1024xf32, #tpu.memory_space<vmem>> -> memref<1x8x1024xf32, #tpu.memory_space<vmem>>
    %dma_wait3A_165 = tpu.memref_squeeze %dma_wait3A_164 : memref<1x8x1024xf32, #tpu.memory_space<vmem>> -> memref<8x1024xf32, #tpu.memory_space<vmem>>
    %dma_wait3A_166 = arith.constant 0 : i32
    %dma_wait3A_167 = tpu.memref_slice %arg5[%dma_wait3A_166] : memref<1024xi32, #tpu.memory_space<vmem>> -> memref<8xi32, #tpu.memory_space<vmem>>
    %dma_wait3A_168 = arith.constant 0 : i32
    %dma_wait3A_169 = arith.constant 0 : i32
    %dma_wait3A_170 = tpu.memref_slice %arg3[%dma_wait3A_168, %dma_wait3A_169] : memref<8192x1024xf32, #tpu.memory_space<hbm>> -> memref<8192x1024xf32, #tpu.memory_space<hbm>>
    tpu.wait_indirect_dma semaphore(%arg10 : memref<!tpu.dma_semaphore, #tpu.memory_space<semaphore_mem>>) src(%dma_wait3A_170 : memref<8192x1024xf32, #tpu.memory_space<hbm>>) dst(%dma_wait3A_165 : memref<8x1024xf32, #tpu.memory_space<vmem>>)
    %add3A_171 = arith.constant 984 : i32
    %add3A_172 = arith.addi %mul3A_2, %add3A_171 : i32
    %dma_start3A_173 = arith.constant 3 : i32
    %dma_start3A_174 = arith.constant 0 : i32
    %dma_start3A_175 = arith.constant 0 : i32
    %dma_start3A_176 = tpu.memref_slice %arg6[%dma_start3A_173, %dma_start3A_174, %dma_start3A_175] : memref<8x8x1024xf32, #tpu.memory_space<vmem>> -> memref<1x8x1024xf32, #tpu.memory_space<vmem>>
    %dma_start3A_177 = tpu.memref_squeeze %dma_start3A_176 : memref<1x8x1024xf32, #tpu.memory_space<vmem>> -> memref<8x1024xf32, #tpu.memory_space<vmem>>
    %dma_start3A_178 = arith.constant 0 : i32
    %dma_start3A_179 = tpu.memref_slice %arg4[%add3A_172, %dma_start3A_178] : memref<32768x1024xf32, #tpu.memory_space<hbm>> -> memref<8x1024xf32, #tpu.memory_space<hbm>>
    %dma_start3A_180 = arith.constant 0 : i32
    %dma_start3A_181 = tpu.memref_slice %arg4[%add3A_172, %dma_start3A_180] : memref<32768x1024xf32, #tpu.memory_space<hbm>> -> memref<8x1024xf32, #tpu.memory_space<hbm>>
    %dma_start3A_182 = arith.constant 0 : i32
    %dma_start3A_183 = arith.constant 0 : i32
    %dma_start3A_184 = tpu.memref_slice %arg6[%dma_start3A_173, %dma_start3A_182, %dma_start3A_183] : memref<8x8x1024xf32, #tpu.memory_space<vmem>> -> memref<1x8x1024xf32, #tpu.memory_space<vmem>>
    %dma_start3A_185 = tpu.memref_squeeze %dma_start3A_184 : memref<1x8x1024xf32, #tpu.memory_space<vmem>> -> memref<8x1024xf32, #tpu.memory_space<vmem>>
    tpu.enqueue_dma source(%dma_start3A_185 : memref<8x1024xf32, #tpu.memory_space<vmem>>) target(%dma_start3A_181 : memref<8x1024xf32, #tpu.memory_space<hbm>>) target_semaphore(%arg18 : memref<!tpu.dma_semaphore, #tpu.memory_space<semaphore_mem>>)
    %dma_wait3A_186 = arith.constant 4 : i32
    %dma_wait3A_187 = arith.constant 0 : i32
    %dma_wait3A_188 = arith.constant 0 : i32
    %dma_wait3A_189 = tpu.memref_slice %arg6[%dma_wait3A_186, %dma_wait3A_187, %dma_wait3A_188] : memref<8x8x1024xf32, #tpu.memory_space<vmem>> -> memref<1x8x1024xf32, #tpu.memory_space<vmem>>
    %dma_wait3A_190 = tpu.memref_squeeze %dma_wait3A_189 : memref<1x8x1024xf32, #tpu.memory_space<vmem>> -> memref<8x1024xf32, #tpu.memory_space<vmem>>
    %dma_wait3A_191 = arith.constant 0 : i32
    %dma_wait3A_192 = tpu.memref_slice %arg5[%dma_wait3A_191] : memref<1024xi32, #tpu.memory_space<vmem>> -> memref<8xi32, #tpu.memory_space<vmem>>
    %dma_wait3A_193 = arith.constant 0 : i32
    %dma_wait3A_194 = arith.constant 0 : i32
    %dma_wait3A_195 = tpu.memref_slice %arg3[%dma_wait3A_193, %dma_wait3A_194] : memref<8192x1024xf32, #tpu.memory_space<hbm>> -> memref<8192x1024xf32, #tpu.memory_space<hbm>>
    tpu.wait_indirect_dma semaphore(%arg11 : memref<!tpu.dma_semaphore, #tpu.memory_space<semaphore_mem>>) src(%dma_wait3A_195 : memref<8192x1024xf32, #tpu.memory_space<hbm>>) dst(%dma_wait3A_190 : memref<8x1024xf32, #tpu.memory_space<vmem>>)
    %add3A_196 = arith.constant 992 : i32
    %add3A_197 = arith.addi %mul3A_2, %add3A_196 : i32
    %dma_start3A_198 = arith.constant 4 : i32
    %dma_start3A_199 = arith.constant 0 : i32
    %dma_start3A_200 = arith.constant 0 : i32
    %dma_start3A_201 = tpu.memref_slice %arg6[%dma_start3A_198, %dma_start3A_199, %dma_start3A_200] : memref<8x8x1024xf32, #tpu.memory_space<vmem>> -> memref<1x8x1024xf32, #tpu.memory_space<vmem>>
    %dma_start3A_202 = tpu.memref_squeeze %dma_start3A_201 : memref<1x8x1024xf32, #tpu.memory_space<vmem>> -> memref<8x1024xf32, #tpu.memory_space<vmem>>
    %dma_start3A_203 = arith.constant 0 : i32
    %dma_start3A_204 = tpu.memref_slice %arg4[%add3A_197, %dma_start3A_203] : memref<32768x1024xf32, #tpu.memory_space<hbm>> -> memref<8x1024xf32, #tpu.memory_space<hbm>>
    %dma_start3A_205 = arith.constant 0 : i32
    %dma_start3A_206 = tpu.memref_slice %arg4[%add3A_197, %dma_start3A_205] : memref<32768x1024xf32, #tpu.memory_space<hbm>> -> memref<8x1024xf32, #tpu.memory_space<hbm>>
    %dma_start3A_207 = arith.constant 0 : i32
    %dma_start3A_208 = arith.constant 0 : i32
    %dma_start3A_209 = tpu.memref_slice %arg6[%dma_start3A_198, %dma_start3A_207, %dma_start3A_208] : memref<8x8x1024xf32, #tpu.memory_space<vmem>> -> memref<1x8x1024xf32, #tpu.memory_space<vmem>>
    %dma_start3A_210 = tpu.memref_squeeze %dma_start3A_209 : memref<1x8x1024xf32, #tpu.memory_space<vmem>> -> memref<8x1024xf32, #tpu.memory_space<vmem>>
    tpu.enqueue_dma source(%dma_start3A_210 : memref<8x1024xf32, #tpu.memory_space<vmem>>) target(%dma_start3A_206 : memref<8x1024xf32, #tpu.memory_space<hbm>>) target_semaphore(%arg19 : memref<!tpu.dma_semaphore, #tpu.memory_space<semaphore_mem>>)
    %dma_wait3A_211 = arith.constant 5 : i32
    %dma_wait3A_212 = arith.constant 0 : i32
    %dma_wait3A_213 = arith.constant 0 : i32
    %dma_wait3A_214 = tpu.memref_slice %arg6[%dma_wait3A_211, %dma_wait3A_212, %dma_wait3A_213] : memref<8x8x1024xf32, #tpu.memory_space<vmem>> -> memref<1x8x1024xf32, #tpu.memory_space<vmem>>
    %dma_wait3A_215 = tpu.memref_squeeze %dma_wait3A_214 : memref<1x8x1024xf32, #tpu.memory_space<vmem>> -> memref<8x1024xf32, #tpu.memory_space<vmem>>
    %dma_wait3A_216 = arith.constant 0 : i32
    %dma_wait3A_217 = tpu.memref_slice %arg5[%dma_wait3A_216] : memref<1024xi32, #tpu.memory_space<vmem>> -> memref<8xi32, #tpu.memory_space<vmem>>
    %dma_wait3A_218 = arith.constant 0 : i32
    %dma_wait3A_219 = arith.constant 0 : i32
    %dma_wait3A_220 = tpu.memref_slice %arg3[%dma_wait3A_218, %dma_wait3A_219] : memref<8192x1024xf32, #tpu.memory_space<hbm>> -> memref<8192x1024xf32, #tpu.memory_space<hbm>>
    tpu.wait_indirect_dma semaphore(%arg12 : memref<!tpu.dma_semaphore, #tpu.memory_space<semaphore_mem>>) src(%dma_wait3A_220 : memref<8192x1024xf32, #tpu.memory_space<hbm>>) dst(%dma_wait3A_215 : memref<8x1024xf32, #tpu.memory_space<vmem>>)
    %add3A_221 = arith.constant 1000 : i32
    %add3A_222 = arith.addi %mul3A_2, %add3A_221 : i32
    %dma_start3A_223 = arith.constant 5 : i32
    %dma_start3A_224 = arith.constant 0 : i32
    %dma_start3A_225 = arith.constant 0 : i32
    %dma_start3A_226 = tpu.memref_slice %arg6[%dma_start3A_223, %dma_start3A_224, %dma_start3A_225] : memref<8x8x1024xf32, #tpu.memory_space<vmem>> -> memref<1x8x1024xf32, #tpu.memory_space<vmem>>
    %dma_start3A_227 = tpu.memref_squeeze %dma_start3A_226 : memref<1x8x1024xf32, #tpu.memory_space<vmem>> -> memref<8x1024xf32, #tpu.memory_space<vmem>>
    %dma_start3A_228 = arith.constant 0 : i32
    %dma_start3A_229 = tpu.memref_slice %arg4[%add3A_222, %dma_start3A_228] : memref<32768x1024xf32, #tpu.memory_space<hbm>> -> memref<8x1024xf32, #tpu.memory_space<hbm>>
    %dma_start3A_230 = arith.constant 0 : i32
    %dma_start3A_231 = tpu.memref_slice %arg4[%add3A_222, %dma_start3A_230] : memref<32768x1024xf32, #tpu.memory_space<hbm>> -> memref<8x1024xf32, #tpu.memory_space<hbm>>
    %dma_start3A_232 = arith.constant 0 : i32
    %dma_start3A_233 = arith.constant 0 : i32
    %dma_start3A_234 = tpu.memref_slice %arg6[%dma_start3A_223, %dma_start3A_232, %dma_start3A_233] : memref<8x8x1024xf32, #tpu.memory_space<vmem>> -> memref<1x8x1024xf32, #tpu.memory_space<vmem>>
    %dma_start3A_235 = tpu.memref_squeeze %dma_start3A_234 : memref<1x8x1024xf32, #tpu.memory_space<vmem>> -> memref<8x1024xf32, #tpu.memory_space<vmem>>
    tpu.enqueue_dma source(%dma_start3A_235 : memref<8x1024xf32, #tpu.memory_space<vmem>>) target(%dma_start3A_231 : memref<8x1024xf32, #tpu.memory_space<hbm>>) target_semaphore(%arg20 : memref<!tpu.dma_semaphore, #tpu.memory_space<semaphore_mem>>)
    %dma_wait3A_236 = arith.constant 6 : i32
    %dma_wait3A_237 = arith.constant 0 : i32
    %dma_wait3A_238 = arith.constant 0 : i32
    %dma_wait3A_239 = tpu.memref_slice %arg6[%dma_wait3A_236, %dma_wait3A_237, %dma_wait3A_238] : memref<8x8x1024xf32, #tpu.memory_space<vmem>> -> memref<1x8x1024xf32, #tpu.memory_space<vmem>>
    %dma_wait3A_240 = tpu.memref_squeeze %dma_wait3A_239 : memref<1x8x1024xf32, #tpu.memory_space<vmem>> -> memref<8x1024xf32, #tpu.memory_space<vmem>>
    %dma_wait3A_241 = arith.constant 0 : i32
    %dma_wait3A_242 = tpu.memref_slice %arg5[%dma_wait3A_241] : memref<1024xi32, #tpu.memory_space<vmem>> -> memref<8xi32, #tpu.memory_space<vmem>>
    %dma_wait3A_243 = arith.constant 0 : i32
    %dma_wait3A_244 = arith.constant 0 : i32
    %dma_wait3A_245 = tpu.memref_slice %arg3[%dma_wait3A_243, %dma_wait3A_244] : memref<8192x1024xf32, #tpu.memory_space<hbm>> -> memref<8192x1024xf32, #tpu.memory_space<hbm>>
    tpu.wait_indirect_dma semaphore(%arg13 : memref<!tpu.dma_semaphore, #tpu.memory_space<semaphore_mem>>) src(%dma_wait3A_245 : memref<8192x1024xf32, #tpu.memory_space<hbm>>) dst(%dma_wait3A_240 : memref<8x1024xf32, #tpu.memory_space<vmem>>)
    %add3A_246 = arith.constant 1008 : i32
    %add3A_247 = arith.addi %mul3A_2, %add3A_246 : i32
    %dma_start3A_248 = arith.constant 6 : i32
    %dma_start3A_249 = arith.constant 0 : i32
    %dma_start3A_250 = arith.constant 0 : i32
    %dma_start3A_251 = tpu.memref_slice %arg6[%dma_start3A_248, %dma_start3A_249, %dma_start3A_250] : memref<8x8x1024xf32, #tpu.memory_space<vmem>> -> memref<1x8x1024xf32, #tpu.memory_space<vmem>>
    %dma_start3A_252 = tpu.memref_squeeze %dma_start3A_251 : memref<1x8x1024xf32, #tpu.memory_space<vmem>> -> memref<8x1024xf32, #tpu.memory_space<vmem>>
    %dma_start3A_253 = arith.constant 0 : i32
    %dma_start3A_254 = tpu.memref_slice %arg4[%add3A_247, %dma_start3A_253] : memref<32768x1024xf32, #tpu.memory_space<hbm>> -> memref<8x1024xf32, #tpu.memory_space<hbm>>
    %dma_start3A_255 = arith.constant 0 : i32
    %dma_start3A_256 = tpu.memref_slice %arg4[%add3A_247, %dma_start3A_255] : memref<32768x1024xf32, #tpu.memory_space<hbm>> -> memref<8x1024xf32, #tpu.memory_space<hbm>>
    %dma_start3A_257 = arith.constant 0 : i32
    %dma_start3A_258 = arith.constant 0 : i32
    %dma_start3A_259 = tpu.memref_slice %arg6[%dma_start3A_248, %dma_start3A_257, %dma_start3A_258] : memref<8x8x1024xf32, #tpu.memory_space<vmem>> -> memref<1x8x1024xf32, #tpu.memory_space<vmem>>
    %dma_start3A_260 = tpu.memref_squeeze %dma_start3A_259 : memref<1x8x1024xf32, #tpu.memory_space<vmem>> -> memref<8x1024xf32, #tpu.memory_space<vmem>>
    tpu.enqueue_dma source(%dma_start3A_260 : memref<8x1024xf32, #tpu.memory_space<vmem>>) target(%dma_start3A_256 : memref<8x1024xf32, #tpu.memory_space<hbm>>) target_semaphore(%arg21 : memref<!tpu.dma_semaphore, #tpu.memory_space<semaphore_mem>>)
    %dma_wait3A_261 = arith.constant 7 : i32
    %dma_wait3A_262 = arith.constant 0 : i32
    %dma_wait3A_263 = arith.constant 0 : i32
    %dma_wait3A_264 = tpu.memref_slice %arg6[%dma_wait3A_261, %dma_wait3A_262, %dma_wait3A_263] : memref<8x8x1024xf32, #tpu.memory_space<vmem>> -> memref<1x8x1024xf32, #tpu.memory_space<vmem>>
    %dma_wait3A_265 = tpu.memref_squeeze %dma_wait3A_264 : memref<1x8x1024xf32, #tpu.memory_space<vmem>> -> memref<8x1024xf32, #tpu.memory_space<vmem>>
    %dma_wait3A_266 = arith.constant 0 : i32
    %dma_wait3A_267 = tpu.memref_slice %arg5[%dma_wait3A_266] : memref<1024xi32, #tpu.memory_space<vmem>> -> memref<8xi32, #tpu.memory_space<vmem>>
    %dma_wait3A_268 = arith.constant 0 : i32
    %dma_wait3A_269 = arith.constant 0 : i32
    %dma_wait3A_270 = tpu.memref_slice %arg3[%dma_wait3A_268, %dma_wait3A_269] : memref<8192x1024xf32, #tpu.memory_space<hbm>> -> memref<8192x1024xf32, #tpu.memory_space<hbm>>
    tpu.wait_indirect_dma semaphore(%arg14 : memref<!tpu.dma_semaphore, #tpu.memory_space<semaphore_mem>>) src(%dma_wait3A_270 : memref<8192x1024xf32, #tpu.memory_space<hbm>>) dst(%dma_wait3A_265 : memref<8x1024xf32, #tpu.memory_space<vmem>>)
    %add3A_271 = arith.constant 1016 : i32
    %add3A_272 = arith.addi %mul3A_2, %add3A_271 : i32
    %dma_start3A_273 = arith.constant 7 : i32
    %dma_start3A_274 = arith.constant 0 : i32
    %dma_start3A_275 = arith.constant 0 : i32
    %dma_start3A_276 = tpu.memref_slice %arg6[%dma_start3A_273, %dma_start3A_274, %dma_start3A_275] : memref<8x8x1024xf32, #tpu.memory_space<vmem>> -> memref<1x8x1024xf32, #tpu.memory_space<vmem>>
    %dma_start3A_277 = tpu.memref_squeeze %dma_start3A_276 : memref<1x8x1024xf32, #tpu.memory_space<vmem>> -> memref<8x1024xf32, #tpu.memory_space<vmem>>
    %dma_start3A_278 = arith.constant 0 : i32
    %dma_start3A_279 = tpu.memref_slice %arg4[%add3A_272, %dma_start3A_278] : memref<32768x1024xf32, #tpu.memory_space<hbm>> -> memref<8x1024xf32, #tpu.memory_space<hbm>>
    %dma_start3A_280 = arith.constant 0 : i32
    %dma_start3A_281 = tpu.memref_slice %arg4[%add3A_272, %dma_start3A_280] : memref<32768x1024xf32, #tpu.memory_space<hbm>> -> memref<8x1024xf32, #tpu.memory_space<hbm>>
    %dma_start3A_282 = arith.constant 0 : i32
    %dma_start3A_283 = arith.constant 0 : i32
    %dma_start3A_284 = tpu.memref_slice %arg6[%dma_start3A_273, %dma_start3A_282, %dma_start3A_283] : memref<8x8x1024xf32, #tpu.memory_space<vmem>> -> memref<1x8x1024xf32, #tpu.memory_space<vmem>>
    %dma_start3A_285 = tpu.memref_squeeze %dma_start3A_284 : memref<1x8x1024xf32, #tpu.memory_space<vmem>> -> memref<8x1024xf32, #tpu.memory_space<vmem>>
    tpu.enqueue_dma source(%dma_start3A_285 : memref<8x1024xf32, #tpu.memory_space<vmem>>) target(%dma_start3A_281 : memref<8x1024xf32, #tpu.memory_space<hbm>>) target_semaphore(%arg22 : memref<!tpu.dma_semaphore, #tpu.memory_space<semaphore_mem>>)
    %dma_wait3A_286 = arith.constant 0 : i32
    %dma_wait3A_287 = arith.constant 0 : i32
    %dma_wait3A_288 = arith.constant 0 : i32
    %dma_wait3A_289 = tpu.memref_slice %arg6[%dma_wait3A_286, %dma_wait3A_287, %dma_wait3A_288] : memref<8x8x1024xf32, #tpu.memory_space<vmem>> -> memref<1x8x1024xf32, #tpu.memory_space<vmem>>
    %dma_wait3A_290 = tpu.memref_squeeze %dma_wait3A_289 : memref<1x8x1024xf32, #tpu.memory_space<vmem>> -> memref<8x1024xf32, #tpu.memory_space<vmem>>
    %dma_wait3A_291 = arith.constant 0 : i32
    %dma_wait3A_292 = tpu.memref_slice %arg4[%mul3A_2, %dma_wait3A_291] : memref<32768x1024xf32, #tpu.memory_space<hbm>> -> memref<8x1024xf32, #tpu.memory_space<hbm>>
    %dma_wait3A_293 = arith.constant 0 : i32
    %dma_wait3A_294 = tpu.memref_slice %arg4[%mul3A_2, %dma_wait3A_293] : memref<32768x1024xf32, #tpu.memory_space<hbm>> -> memref<8x1024xf32, #tpu.memory_space<hbm>>
    %dma_wait3A_295 = arith.constant 0 : i32
    %dma_wait3A_296 = arith.constant 0 : i32
    %dma_wait3A_297 = tpu.memref_slice %arg6[%dma_wait3A_286, %dma_wait3A_295, %dma_wait3A_296] : memref<8x8x1024xf32, #tpu.memory_space<vmem>> -> memref<1x8x1024xf32, #tpu.memory_space<vmem>>
    %dma_wait3A_298 = tpu.memref_squeeze %dma_wait3A_297 : memref<1x8x1024xf32, #tpu.memory_space<vmem>> -> memref<8x1024xf32, #tpu.memory_space<vmem>>
    tpu.wait_dma2 semaphore(%arg15 : memref<!tpu.dma_semaphore, #tpu.memory_space<semaphore_mem>>) src(%dma_wait3A_298 : memref<8x1024xf32, #tpu.memory_space<vmem>>) dst(%dma_wait3A_294 : memref<8x1024xf32, #tpu.memory_space<hbm>>)
    %dma_wait3A_299 = arith.constant 1 : i32
    %dma_wait3A_300 = arith.constant 0 : i32
    %dma_wait3A_301 = arith.constant 0 : i32
    %dma_wait3A_302 = tpu.memref_slice %arg6[%dma_wait3A_299, %dma_wait3A_300, %dma_wait3A_301] : memref<8x8x1024xf32, #tpu.memory_space<vmem>> -> memref<1x8x1024xf32, #tpu.memory_space<vmem>>
    %dma_wait3A_303 = tpu.memref_squeeze %dma_wait3A_302 : memref<1x8x1024xf32, #tpu.memory_space<vmem>> -> memref<8x1024xf32, #tpu.memory_space<vmem>>
    %dma_wait3A_304 = arith.constant 0 : i32
    %dma_wait3A_305 = tpu.memref_slice %arg4[%mul3A_2, %dma_wait3A_304] : memref<32768x1024xf32, #tpu.memory_space<hbm>> -> memref<8x1024xf32, #tpu.memory_space<hbm>>
    %dma_wait3A_306 = arith.constant 0 : i32
    %dma_wait3A_307 = tpu.memref_slice %arg4[%mul3A_2, %dma_wait3A_306] : memref<32768x1024xf32, #tpu.memory_space<hbm>> -> memref<8x1024xf32, #tpu.memory_space<hbm>>
    %dma_wait3A_308 = arith.constant 0 : i32
    %dma_wait3A_309 = arith.constant 0 : i32
    %dma_wait3A_310 = tpu.memref_slice %arg6[%dma_wait3A_299, %dma_wait3A_308, %dma_wait3A_309] : memref<8x8x1024xf32, #tpu.memory_space<vmem>> -> memref<1x8x1024xf32, #tpu.memory_space<vmem>>
    %dma_wait3A_311 = tpu.memref_squeeze %dma_wait3A_310 : memref<1x8x1024xf32, #tpu.memory_space<vmem>> -> memref<8x1024xf32, #tpu.memory_space<vmem>>
    tpu.wait_dma2 semaphore(%arg16 : memref<!tpu.dma_semaphore, #tpu.memory_space<semaphore_mem>>) src(%dma_wait3A_311 : memref<8x1024xf32, #tpu.memory_space<vmem>>) dst(%dma_wait3A_307 : memref<8x1024xf32, #tpu.memory_space<hbm>>)
    %dma_wait3A_312 = arith.constant 2 : i32
    %dma_wait3A_313 = arith.constant 0 : i32
    %dma_wait3A_314 = arith.constant 0 : i32
    %dma_wait3A_315 = tpu.memref_slice %arg6[%dma_wait3A_312, %dma_wait3A_313, %dma_wait3A_314] : memref<8x8x1024xf32, #tpu.memory_space<vmem>> -> memref<1x8x1024xf32, #tpu.memory_space<vmem>>
    %dma_wait3A_316 = tpu.memref_squeeze %dma_wait3A_315 : memref<1x8x1024xf32, #tpu.memory_space<vmem>> -> memref<8x1024xf32, #tpu.memory_space<vmem>>
    %dma_wait3A_317 = arith.constant 0 : i32
    %dma_wait3A_318 = tpu.memref_slice %arg4[%mul3A_2, %dma_wait3A_317] : memref<32768x1024xf32, #tpu.memory_space<hbm>> -> memref<8x1024xf32, #tpu.memory_space<hbm>>
    %dma_wait3A_319 = arith.constant 0 : i32
    %dma_wait3A_320 = tpu.memref_slice %arg4[%mul3A_2, %dma_wait3A_319] : memref<32768x1024xf32, #tpu.memory_space<hbm>> -> memref<8x1024xf32, #tpu.memory_space<hbm>>
    %dma_wait3A_321 = arith.constant 0 : i32
    %dma_wait3A_322 = arith.constant 0 : i32
    %dma_wait3A_323 = tpu.memref_slice %arg6[%dma_wait3A_312, %dma_wait3A_321, %dma_wait3A_322] : memref<8x8x1024xf32, #tpu.memory_space<vmem>> -> memref<1x8x1024xf32, #tpu.memory_space<vmem>>
    %dma_wait3A_324 = tpu.memref_squeeze %dma_wait3A_323 : memref<1x8x1024xf32, #tpu.memory_space<vmem>> -> memref<8x1024xf32, #tpu.memory_space<vmem>>
    tpu.wait_dma2 semaphore(%arg17 : memref<!tpu.dma_semaphore, #tpu.memory_space<semaphore_mem>>) src(%dma_wait3A_324 : memref<8x1024xf32, #tpu.memory_space<vmem>>) dst(%dma_wait3A_320 : memref<8x1024xf32, #tpu.memory_space<hbm>>)
    %dma_wait3A_325 = arith.constant 3 : i32
    %dma_wait3A_326 = arith.constant 0 : i32
    %dma_wait3A_327 = arith.constant 0 : i32
    %dma_wait3A_328 = tpu.memref_slice %arg6[%dma_wait3A_325, %dma_wait3A_326, %dma_wait3A_327] : memref<8x8x1024xf32, #tpu.memory_space<vmem>> -> memref<1x8x1024xf32, #tpu.memory_space<vmem>>
    %dma_wait3A_329 = tpu.memref_squeeze %dma_wait3A_328 : memref<1x8x1024xf32, #tpu.memory_space<vmem>> -> memref<8x1024xf32, #tpu.memory_space<vmem>>
    %dma_wait3A_330 = arith.constant 0 : i32
    %dma_wait3A_331 = tpu.memref_slice %arg4[%mul3A_2, %dma_wait3A_330] : memref<32768x1024xf32, #tpu.memory_space<hbm>> -> memref<8x1024xf32, #tpu.memory_space<hbm>>
    %dma_wait3A_332 = arith.constant 0 : i32
    %dma_wait3A_333 = tpu.memref_slice %arg4[%mul3A_2, %dma_wait3A_332] : memref<32768x1024xf32, #tpu.memory_space<hbm>> -> memref<8x1024xf32, #tpu.memory_space<hbm>>
    %dma_wait3A_334 = arith.constant 0 : i32
    %dma_wait3A_335 = arith.constant 0 : i32
    %dma_wait3A_336 = tpu.memref_slice %arg6[%dma_wait3A_325, %dma_wait3A_334, %dma_wait3A_335] : memref<8x8x1024xf32, #tpu.memory_space<vmem>> -> memref<1x8x1024xf32, #tpu.memory_space<vmem>>
    %dma_wait3A_337 = tpu.memref_squeeze %dma_wait3A_336 : memref<1x8x1024xf32, #tpu.memory_space<vmem>> -> memref<8x1024xf32, #tpu.memory_space<vmem>>
    tpu.wait_dma2 semaphore(%arg18 : memref<!tpu.dma_semaphore, #tpu.memory_space<semaphore_mem>>) src(%dma_wait3A_337 : memref<8x1024xf32, #tpu.memory_space<vmem>>) dst(%dma_wait3A_333 : memref<8x1024xf32, #tpu.memory_space<hbm>>)
    %dma_wait3A_338 = arith.constant 4 : i32
    %dma_wait3A_339 = arith.constant 0 : i32
    %dma_wait3A_340 = arith.constant 0 : i32
    %dma_wait3A_341 = tpu.memref_slice %arg6[%dma_wait3A_338, %dma_wait3A_339, %dma_wait3A_340] : memref<8x8x1024xf32, #tpu.memory_space<vmem>> -> memref<1x8x1024xf32, #tpu.memory_space<vmem>>
    %dma_wait3A_342 = tpu.memref_squeeze %dma_wait3A_341 : memref<1x8x1024xf32, #tpu.memory_space<vmem>> -> memref<8x1024xf32, #tpu.memory_space<vmem>>
    %dma_wait3A_343 = arith.constant 0 : i32
    %dma_wait3A_344 = tpu.memref_slice %arg4[%mul3A_2, %dma_wait3A_343] : memref<32768x1024xf32, #tpu.memory_space<hbm>> -> memref<8x1024xf32, #tpu.memory_space<hbm>>
    %dma_wait3A_345 = arith.constant 0 : i32
    %dma_wait3A_346 = tpu.memref_slice %arg4[%mul3A_2, %dma_wait3A_345] : memref<32768x1024xf32, #tpu.memory_space<hbm>> -> memref<8x1024xf32, #tpu.memory_space<hbm>>
    %dma_wait3A_347 = arith.constant 0 : i32
    %dma_wait3A_348 = arith.constant 0 : i32
    %dma_wait3A_349 = tpu.memref_slice %arg6[%dma_wait3A_338, %dma_wait3A_347, %dma_wait3A_348] : memref<8x8x1024xf32, #tpu.memory_space<vmem>> -> memref<1x8x1024xf32, #tpu.memory_space<vmem>>
    %dma_wait3A_350 = tpu.memref_squeeze %dma_wait3A_349 : memref<1x8x1024xf32, #tpu.memory_space<vmem>> -> memref<8x1024xf32, #tpu.memory_space<vmem>>
    tpu.wait_dma2 semaphore(%arg19 : memref<!tpu.dma_semaphore, #tpu.memory_space<semaphore_mem>>) src(%dma_wait3A_350 : memref<8x1024xf32, #tpu.memory_space<vmem>>) dst(%dma_wait3A_346 : memref<8x1024xf32, #tpu.memory_space<hbm>>)
    %dma_wait3A_351 = arith.constant 5 : i32
    %dma_wait3A_352 = arith.constant 0 : i32
    %dma_wait3A_353 = arith.constant 0 : i32
    %dma_wait3A_354 = tpu.memref_slice %arg6[%dma_wait3A_351, %dma_wait3A_352, %dma_wait3A_353] : memref<8x8x1024xf32, #tpu.memory_space<vmem>> -> memref<1x8x1024xf32, #tpu.memory_space<vmem>>
    %dma_wait3A_355 = tpu.memref_squeeze %dma_wait3A_354 : memref<1x8x1024xf32, #tpu.memory_space<vmem>> -> memref<8x1024xf32, #tpu.memory_space<vmem>>
    %dma_wait3A_356 = arith.constant 0 : i32
    %dma_wait3A_357 = tpu.memref_slice %arg4[%mul3A_2, %dma_wait3A_356] : memref<32768x1024xf32, #tpu.memory_space<hbm>> -> memref<8x1024xf32, #tpu.memory_space<hbm>>
    %dma_wait3A_358 = arith.constant 0 : i32
    %dma_wait3A_359 = tpu.memref_slice %arg4[%mul3A_2, %dma_wait3A_358] : memref<32768x1024xf32, #tpu.memory_space<hbm>> -> memref<8x1024xf32, #tpu.memory_space<hbm>>
    %dma_wait3A_360 = arith.constant 0 : i32
    %dma_wait3A_361 = arith.constant 0 : i32
    %dma_wait3A_362 = tpu.memref_slice %arg6[%dma_wait3A_351, %dma_wait3A_360, %dma_wait3A_361] : memref<8x8x1024xf32, #tpu.memory_space<vmem>> -> memref<1x8x1024xf32, #tpu.memory_space<vmem>>
    %dma_wait3A_363 = tpu.memref_squeeze %dma_wait3A_362 : memref<1x8x1024xf32, #tpu.memory_space<vmem>> -> memref<8x1024xf32, #tpu.memory_space<vmem>>
    tpu.wait_dma2 semaphore(%arg20 : memref<!tpu.dma_semaphore, #tpu.memory_space<semaphore_mem>>) src(%dma_wait3A_363 : memref<8x1024xf32, #tpu.memory_space<vmem>>) dst(%dma_wait3A_359 : memref<8x1024xf32, #tpu.memory_space<hbm>>)
    %dma_wait3A_364 = arith.constant 6 : i32
    %dma_wait3A_365 = arith.constant 0 : i32
    %dma_wait3A_366 = arith.constant 0 : i32
    %dma_wait3A_367 = tpu.memref_slice %arg6[%dma_wait3A_364, %dma_wait3A_365, %dma_wait3A_366] : memref<8x8x1024xf32, #tpu.memory_space<vmem>> -> memref<1x8x1024xf32, #tpu.memory_space<vmem>>
    %dma_wait3A_368 = tpu.memref_squeeze %dma_wait3A_367 : memref<1x8x1024xf32, #tpu.memory_space<vmem>> -> memref<8x1024xf32, #tpu.memory_space<vmem>>
    %dma_wait3A_369 = arith.constant 0 : i32
    %dma_wait3A_370 = tpu.memref_slice %arg4[%mul3A_2, %dma_wait3A_369] : memref<32768x1024xf32, #tpu.memory_space<hbm>> -> memref<8x1024xf32, #tpu.memory_space<hbm>>
    %dma_wait3A_371 = arith.constant 0 : i32
    %dma_wait3A_372 = tpu.memref_slice %arg4[%mul3A_2, %dma_wait3A_371] : memref<32768x1024xf32, #tpu.memory_space<hbm>> -> memref<8x1024xf32, #tpu.memory_space<hbm>>
    %dma_wait3A_373 = arith.constant 0 : i32
    %dma_wait3A_374 = arith.constant 0 : i32
    %dma_wait3A_375 = tpu.memref_slice %arg6[%dma_wait3A_364, %dma_wait3A_373, %dma_wait3A_374] : memref<8x8x1024xf32, #tpu.memory_space<vmem>> -> memref<1x8x1024xf32, #tpu.memory_space<vmem>>
    %dma_wait3A_376 = tpu.memref_squeeze %dma_wait3A_375 : memref<1x8x1024xf32, #tpu.memory_space<vmem>> -> memref<8x1024xf32, #tpu.memory_space<vmem>>
    tpu.wait_dma2 semaphore(%arg21 : memref<!tpu.dma_semaphore, #tpu.memory_space<semaphore_mem>>) src(%dma_wait3A_376 : memref<8x1024xf32, #tpu.memory_space<vmem>>) dst(%dma_wait3A_372 : memref<8x1024xf32, #tpu.memory_space<hbm>>)
    %dma_wait3A_377 = arith.constant 7 : i32
    %dma_wait3A_378 = arith.constant 0 : i32
    %dma_wait3A_379 = arith.constant 0 : i32
    %dma_wait3A_380 = tpu.memref_slice %arg6[%dma_wait3A_377, %dma_wait3A_378, %dma_wait3A_379] : memref<8x8x1024xf32, #tpu.memory_space<vmem>> -> memref<1x8x1024xf32, #tpu.memory_space<vmem>>
    %dma_wait3A_381 = tpu.memref_squeeze %dma_wait3A_380 : memref<1x8x1024xf32, #tpu.memory_space<vmem>> -> memref<8x1024xf32, #tpu.memory_space<vmem>>
    %dma_wait3A_382 = arith.constant 0 : i32
    %dma_wait3A_383 = tpu.memref_slice %arg4[%mul3A_2, %dma_wait3A_382] : memref<32768x1024xf32, #tpu.memory_space<hbm>> -> memref<8x1024xf32, #tpu.memory_space<hbm>>
    %dma_wait3A_384 = arith.constant 0 : i32
    %dma_wait3A_385 = tpu.memref_slice %arg4[%mul3A_2, %dma_wait3A_384] : memref<32768x1024xf32, #tpu.memory_space<hbm>> -> memref<8x1024xf32, #tpu.memory_space<hbm>>
    %dma_wait3A_386 = arith.constant 0 : i32
    %dma_wait3A_387 = arith.constant 0 : i32
    %dma_wait3A_388 = tpu.memref_slice %arg6[%dma_wait3A_377, %dma_wait3A_386, %dma_wait3A_387] : memref<8x8x1024xf32, #tpu.memory_space<vmem>> -> memref<1x8x1024xf32, #tpu.memory_space<vmem>>
    %dma_wait3A_389 = tpu.memref_squeeze %dma_wait3A_388 : memref<1x8x1024xf32, #tpu.memory_space<vmem>> -> memref<8x1024xf32, #tpu.memory_space<vmem>>
    tpu.wait_dma2 semaphore(%arg22 : memref<!tpu.dma_semaphore, #tpu.memory_space<semaphore_mem>>) src(%dma_wait3A_389 : memref<8x1024xf32, #tpu.memory_space<vmem>>) dst(%dma_wait3A_385 : memref<8x1024xf32, #tpu.memory_space<hbm>>)
    return
  }
}

</mosaic_0001>

<sc_bundles>
// kernel: kernel.3.cloned.1.call-start
scs
__scs_entry_jumppad:
0x0: {  	(pc) =	sbr.rel $0x88, $3  }
0x1: {  	(tag) =	ssettag $0x0;
	lr =	simm.s32 $0x1  }
0x2: {  	[smem:$0x3F9F] =	sst lr;
	_ =	strace $0xD0000000  }
0x3: {  	_ = 	snop  }
0x4: {  	_ = 	snop  }
0x5: {  	_ = 	snop  }
0x6: {  	_ = 	snop  }
0x7: {  	_ = 	snop  }
__scs_overlays_trampoline_lowered:
0x8: {  	[smem:$0x3FAE] =	sst s0  }
0x9: {  	[smem:$0x3FAF] =	sst s1  }
0xa: {  	[smem:$0x3FB0] =	sst s2  }
0xb: {  	[smem:$0x3FB1] =	sst s3  }
0xc: {  	[smem:$0x3FB2] =	sst s4  }
0xd: {  	[smem:$0x3FB3] =	sst s5  }
0xe: {  	[smem:$0x3FB4] =	sst s6  }
0xf: {  	[smem:$0x3FB5] =	sst s7  }
0x10: {  	[smem:$0x3FB6] =	sst s8  }
0x11: {  	[smem:$0x3FB7] =	sst s9;
	s0 =	simm.s32 @!p0 $0x0  }
0x12: {  	s1 =	sld [smem:$0x3F9D];
	s0 =	simm.s32 @p0 $0x1  }
0x13: {  	[smem:$0x3FB8] =	sst s0;
	s0 =	simm.s32 @!p1 $0x0  }
0x14: {  	s2 =	sld [smem:$0x3F9C];
	s0 =	simm.s32 @p1 $0x1  }
0x15: {  	[smem:$0x3FB9] =	sst s0;
	s0 =	simm.s32 @!p2 $0x0  }
0x16: {  	s3 =	sld [smem:$0x3FDB];
	s0 =	simm.s32 @p2 $0x1  }
0x17: {  	s4 =	simm.s32 $0x1BF5;
	[smem:$0x3FBB] =	sst s0  }
0x18: {  	s0 =	sld [smem:$0x3F9E];
	_ =	swait.ge [sflag:s4], $0x0  }
0x19: {  	s7 =	sld [smem:$0x3F9F]  }
0x1a: {  	s8 =	sadd.s32 $0xFFFFE003, lr  }
0x1b: {  	s9 =	sadd.s32 $0xFFFFFEF7, lr;
	s5 =	simm.s32 $0xFFFFFFFF;
	p2 =	slt.u32 s8, $0xFFFFF086  }
0x1c: {  	p1 =	slt.u32 s9, $0xF7A;
	s5 =	simm.s32 @!p2 $0x0  }
0x1d: {  	s5 =	simm.s32 @p1 $0x1;
	p0 =	seq.s32 s7, s2  }
0x1e: {  	s7 =	smul.u32 @!p0 $0xF7A, s2;
	p2 =	seq.s32 @!p0 s5, $0x0  }
0x1f: {  	s9 =	smul.u32 $0xF7A, s1;
	s8 =	simm.s32 @!p0 $0x1BF5;
	p2 =	por !p2, p0  }
0x20: {  	[sflag:s8] =	ssyncset.s32 @!p0 $0xFFFFF086;
	s6 =	sadd.s32 @!p0 s3, s7;
	s7 =	simm.s32 @!p0 $0x108  }
0x21: {  	s3 =	sadd.s32 s3, s9;
	s6 =	sadd.s32 @!p0 $0x88, s6;
	s7 =	simm.s32 @p2 $0x1082  }
0x22: {  	[simem:s7], [sflag:s8] =	dma.local @!p0 [hbm:s6], $0xF7A  }
0x23: {  	s9 =	sor.u32 $0xD0000000, s2;
	s6 =	simm.s32 $0x108;
	_ =	swait.ge @!p0 [sflag:s8], $0x0  }
0x24: {  	s3 =	sadd.s32 $0x88, s3;
	s6 =	simm.s32 @!p1 $0x1082;
	[sflag:s4] =	ssyncset.s32 $0xFFFFF086  }
0x25: {  	[simem:s6], [sflag:s4] =	dma.local [hbm:s3], $0xF7A  }
0x26: {  	[smem:$0x3F9F] =	sst s1;
	(tag) =	ssettag s2;
	_ =	strace s9  }
0x27: {  	s1 =	sld [smem:$0x3FAF]  }
0x28: {  	s2 =	sld [smem:$0x3FB0]  }
0x29: {  	s4 =	sld [smem:$0x3FB2]  }
0x2a: {  	p0 =	seq.s32 s5, $0x0;
	s5 =	sld [smem:$0x3FB3]  }
0x2b: {  	s6 =	sld [smem:$0x3FB4]  }
0x2c: {  	s7 =	sld [smem:$0x3FB5]  }
0x2d: {  	s3 =	simm.s32 $0x108;
	s8 =	sld [smem:$0x3FB6]  }
0x2e: {  	s3 =	simm.s32 @!p0 $0x1082;
	s9 =	sld [smem:$0x3FB7]  }
0x2f: {  	lr =	sadd.s32 s0, s3;
	s0 =	sld [smem:$0x3FAE]  }
0x30: {  	s3 =	sld [smem:$0x3FB1]  }
0x31: {  	[smem:$0x3FBA] =	sst s10  }
0x32: {  	s10 =	sld [smem:$0x3FB8];
	_ =	sdelay $0x3  }
0x33: {  	p0 =	seq.s32 s10, $0x1;
	s10 =	sld [smem:$0x3FBA];
	_ =	sdelay $0x3  }
0x34: {  	[smem:$0x3FBA] =	sst s10  }
0x35: {  	s10 =	sld [smem:$0x3FB9];
	_ =	sdelay $0x3  }
0x36: {  	p1 =	seq.s32 s10, $0x1;
	s10 =	sld [smem:$0x3FBA];
	_ =	sdelay $0x3  }
0x37: {  	[smem:$0x3FBA] =	sst s10  }
0x38: {  	s10 =	sld [smem:$0x3FBB]  }
0x39: {  	_ = 	snop;
	(pc) =	sbr.ind lr, $3  }
0x3a: {  	_ = 	snop  }
0x3b: {  	_ = 	snop  }
0x3c: {  	p2 =	seq.s32 s10, $0x1;
	s10 =	sld [smem:$0x3FBA]  }
0x3d: {  	_ =	shalt  }
0x3e: {  	_ =	shalt  }
0x3f: {  	_ =	shalt  }
0x40: {  	_ =	shalt  }
0x41: {  	_ =	shalt  }
0x42: {  	_ =	shalt  }
0x43: {  	_ =	shalt  }
0x44: {  	_ =	shalt  }
0x45: {  	_ =	shalt  }
0x46: {  	_ =	shalt  }
0x47: {  	_ =	shalt  }
0x48: {  	_ =	shalt  }
0x49: {  	_ =	shalt  }
0x4a: {  	_ =	shalt  }
0x4b: {  	_ =	shalt  }
0x4c: {  	_ =	shalt  }
0x4d: {  	_ =	shalt  }
0x4e: {  	_ =	shalt  }
0x4f: {  	_ =	shalt  }
0x50: {  	_ =	shalt  }
0x51: {  	_ =	shalt  }
0x52: {  	_ =	shalt  }
0x53: {  	_ =	shalt  }
0x54: {  	_ =	shalt  }
0x55: {  	_ =	shalt  }
0x56: {  	_ =	shalt  }
0x57: {  	_ =	shalt  }
0x58: {  	_ =	shalt  }
0x59: {  	_ =	shalt  }
0x5a: {  	_ =	shalt  }
0x5b: {  	_ =	shalt  }
0x5c: {  	_ =	shalt  }
0x5d: {  	_ =	shalt  }
0x5e: {  	_ =	shalt  }
0x5f: {  	_ =	shalt  }
0x60: {  	_ =	shalt  }
0x61: {  	_ =	shalt  }
0x62: {  	_ =	shalt  }
0x63: {  	_ =	shalt  }
0x64: {  	_ =	shalt  }
0x65: {  	_ =	shalt  }
0x66: {  	_ =	shalt  }
0x67: {  	_ =	shalt  }
0x68: {  	_ =	shalt  }
0x69: {  	_ =	shalt  }
0x6a: {  	_ =	shalt  }
0x6b: {  	_ =	shalt  }
0x6c: {  	_ =	shalt  }
0x6d: {  	_ =	shalt  }
0x6e: {  	_ =	shalt  }
0x6f: {  	_ =	shalt  }
0x70: {  	_ =	shalt  }
0x71: {  	_ =	shalt  }
0x72: {  	_ =	shalt  }
0x73: {  	_ =	shalt  }
0x74: {  	_ =	shalt  }
0x75: {  	_ =	shalt  }
0x76: {  	_ =	shalt  }
0x77: {  	_ =	shalt  }
0x78: {  	_ =	shalt  }
0x79: {  	_ =	shalt  }
0x7a: {  	_ =	shalt  }
0x7b: {  	_ =	shalt  }
0x7c: {  	_ =	shalt  }
0x7d: {  	_ =	shalt  }
0x7e: {  	_ =	shalt  }
0x7f: {  	_ =	shalt  }
0x80: {  	_ =	shalt  }
0x81: {  	_ =	shalt  }
0x82: {  	_ =	shalt  }
0x83: {  	_ =	shalt  }
0x84: {  	_ =	shalt  }
0x85: {  	_ =	shalt  }
0x86: {  	_ =	shalt  }
0x87: {  	_ =	shalt  }
.Lfunc_end0:
.L_simem_size_0:
called_computation_lowered:
.L_overlay_start_0:
0x88: {  	s2 =	sld [smem:$0x3FD9]  }
0x89: {  	s3 =	sld [smem:$0x3FFE];
	_ =	sdelay $0x1  }
0x8a: {  	s1 =	srdreg.scid  }
0x8b: {  	s0 =	sand.u32 $0x1, s1  }
0x8c: {  	s17 =	sshll.u32 s0, $0xA;
	s2 =	sadd.s32 s3, s2  }
0x8d: {  	s2 =	sadd.s32 s2, s17  }
0x8e: {  	[smem:$0x3FC6] =	sst s2  }
0x8f: {  	_ = 	snop  }
0x90: {  	s2 =	sld [smem:$0x3FC8]  }
0x91: {  	s18 =	sld [smem:$0x3FD0];
	(tm) =	ssettm $0x1  }
0x92: {  	s4 =	sld [smem:$0x3FFB];
	_ =	sdelay $0x3  }
0x93: {  	_ =	strace s4  }
0x94: {  	s4 =	sld [smem:$0x3FFC];
	_ =	sdelay $0x3  }
0x95: {  	_ =	strace s4  }
0x96: {  	s4 =	sld [smem:$0x3FFD];
	_ =	sdelay $0x3  }
0x97: {  	_ =	strace s4  }
0x98: {  	_ =	strace $0x8FFFFFFF  }
0x99: {  	s19 =	sld [smem:$0x3FDB];
	_ =	sdelay $0x1  }
0x9a: {  	s5 =	simm.s32 $_scs_section_size  }
0x9b: {  	s6 =	simm.s32 $_size__tile_overlayer_lowered;
	s7 =	simm.s32 $_tile_overlayer_lowered  }
0x9c: {  	s22 =	simm.s32 $0x1BFF;
	s21 =	sshll.u32 s7, $0x1;
	s4 =	sadd.s32 s5, s19  }
0x9d: {  	s8 =	simm.s32 $0x0;
	s20 =	sshll.u32 s6, $0x1;
	s6 =	sadd.s32 s21, s4  }
0x9e: {  	[timem:s8], [sflag:s22] =	dma.local [hbm:s6], s20  }
0x9f: {  	_ =	swait.ge [sflag:s22], s20  }
0xa0: {  	s5 =	ssub.s32 $0x0, s20;
	[sflag:s22] =	ssyncset.done $0x0  }
0xa1: {  	[sflag:s22] =	ssyncadd.s32 s5;
	_ =	sdelay $0x1  }
0xa2: {  	s23 =	simm.s32 $0x1B8B  }
0xa3: {  	_ =	swait.ge [sflag:s23], $0x1  }
0xa4: {  	[sflag:s23] =	ssyncset.done $0x0  }
0xa5: {  	s25 =	simm.s32 $0x1B8E;
	s24 =	sld [smem:$0x3FFE];
	[sflag:s23] =	ssyncadd.s32 $0xFFFFFFFF  }
0xa6: {  	s26 =	simm.s32 $execute0_lowered;
	[smem:$0x3FD2] =	sst s25  }
0xa7: {  	s6 =	sshll.u32 s26, $0x1;
	_ =	strace $0x80000046;
	[dreg:$0x1] =	wrdreg $0xFFFFFFFF  }
0xa8: {  	s28 =	simm.s32 $_size_execute0_lowered;
	s4 =	sadd.s32 s4, s6;
	[dreg:$0x0] =	wrdreg $0x0  }
0xa9: {  	s6 =	sshll.u32 s28, $0x1;
	[dreg:$0x2] =	wrdreg s4  }
0xaa: {  	[dreg:$0x3] =	wrdreg s6  }
0xab: {  	[dreg:$0x4] =	wrdreg $0xC0  }
0xac: {  	_ =	task [dreg:s8], $0x5FFFF  }
0xad: {  	[dreg:$0x1] =	wrdreg $0xFFFFFFFF  }
0xae: {  	[dreg:$0x0] =	wrdreg $0x60  }
0xaf: {  	[dreg:$0x2] =	wrdreg s24  }
0xb0: {  	[dreg:$0x3] =	wrdreg s2  }
0xb1: {  	[dreg:$0x4] =	wrdreg s18  }
0xb2: {  	[dreg:$0x5] =	wrdreg $0x9  }
0xb3: {  	_ =	task.clear_ibuf [dreg:s8], $0x6FFFF;
	_ =	strace $0x90000046  }
0xb4: {  	s29 =	simm.s32 $0x9;
	_ =	strace $0x80000048  }
0xb5: {  	_ =	swait.ge [sflag:s29], $0x1  }
0xb6: {  	[sflag:s29] =	ssyncadd.s32 $0xFFFFFFFF  }
0xb7: {  	_ =	strace $0x90000048  }
0xb8: {  	_ =	sfence  }
0xb9: {  	s30 =	sld [smem:$0x0];
	_ =	sdelay $0x2  }
0xba: {  	s31 =	sshll.u32 s1, $0xD;
	s1 =	sshrl.u32 s1, $0x2  }
0xbb: {  	s3 =	sand.u32 $0x4000, s31;
	s1 =	sadd.s32 s1, s30  }
0xbc: {  	s0 =	sor.u32 s3, s0;
	s1 =	sshll.u32 s1, $0x11  }
0xbd: {  	s0 =	sor.u32 s1, s0  }
0xbe: {  	s0 =	sadd.s32 $0x8F2B, s0  }
0xbf: {  	[sflag:s0] =	ssyncadd.remote.s32 $0x1  }
0xc0: {  	_ =	sfence.sel $0xFFFF  }
0xc1: {  	[dreg:$0x0] =	wrdreg $0xFFFFFFFF;
	(pc) =	sbr.abs _section_cstart, $3  }
0xc2: {  	[dreg:$0x1] =	wrdreg $0xFFFFFFFF  }
0xc3: {  	_ =	task.clear_ibuf [dreg:s8], $0x2FFFF;
	_ =	strace $0x9FFFFFFF  }
0xc4: {  	(tm) =	ssettm $0x7FFFFFFF  }
0xc5: {  	_ =	shalt  }
tec
execute0_lowered:
.L_overlay_start_1:
0x0: {  	(tag) =	ssettag $0x1  }
0x1: {  	s0 =	rddreg [dreg:$0x0]  }
0x2: {  	s2 =	rddreg [dreg:$0x1]  }
0x3: {  	s1 =	rddreg [dreg:$0x2]  }
0x4: {  	s3 =	srdreg.scid;
	s9 =	stileid.u32;
	s31 =	simm.s32 $0xC00  }
0x5: {  	s11 =	simm.s32 $0x2C00;
	s13 =	simm.s32 $0x3400;
	s14 =	simm.s32 $0x3C00  }
0x6: {  	s12 =	simm.s32 $0x6400;
	s28 =	simm.s32 $0x8400;
	s29 =	simm.s32 $0x8C00  }
0x7: {  	s30 =	simm.s32 $0xAC00;
	s15 =	simm.s32 $0x8;
	s4 =	sand.u32 $0x1, s3  }
0x8: {  	s3 =	simm.s32 $0x0;
	s5 =	sshll.u32 s9, $0xB;
	s9 =	sshll.u32 s9, $0x12  }
0x9: {  	s6 =	sshll.u32 s4, $0xA;
	[smem:$0x7FF] =	sst s3;
	s16 =	ssub.s32 $0x2, s4  }
0xa: {  	s4 =	sshll.u32 s4, $0x11;
	s5 =	sor.u32 s6, s5;
	_ =	strace $0x80000047  }
0xb: {  	s8 =	sshrl.u32 s16, $0x1;
	s6 =	sadd.s32 $0x200, s2;
	s7 =	sshrl.u32 s5, $0x3  }
0xc: {  	s8 =	ssub.s32 s16, s8;
	s17 =	sshll.u32 s5, $0x7;
	s5 =	sadd.s32 $0x100, s2  }
0xd: {  	s16 =	simm.s32 $0x2400;
	s0 =	sadd.s32 s7, s0;
	s25 =	smax.u32 s8, $0x1  }
0xe: {  	s18 =	sadd.s32 s17, s1;
	s0 =	sadd.s32 $0x400, s0;
	[dreg:$0xe] =	wrdreg s25  }
0xf: {  	s7 =	sadd.s32 $0x300, s2;
	s10 =	sadd.s32 $0x1E000, s18;
	[dreg:$0x5] =	wrdreg s0  }
0x10: {  	s1 =	sadd.s32 s9, s1;
	s19 =	sadd.s32 $0x1E400, s18;
	[dreg:$0x6] =	wrdreg s10  }
0x11: {  	s8 =	simm.s32 $0x4400;
	s20 =	sadd.s32 $0x1E800, s18;
	[dreg:$0x7] =	wrdreg s19  }
0x12: {  	s9 =	simm.s32 $0xEC00;
	s21 =	sadd.s32 $0x1EC00, s18;
	[dreg:$0x8] =	wrdreg s20  }
0x13: {  	s17 =	simm.s32 $0x4;
	s22 =	sadd.s32 $0x1F000, s18;
	[dreg:$0x9] =	wrdreg s21  }
0x14: {  	s23 =	sadd.s32 $0x1F400, s18;
	s24 =	sadd.s32 $0x1F800, s18;
	[dreg:$0xa] =	wrdreg s22  }
0x15: {  	s26 =	sadd.s32 s4, s1;
	s25 =	simm.s32 $0x1400;
	[dreg:$0xb] =	wrdreg s23  }
0x16: {  	s1 =	simm.s32 $0xCC00;
	s4 =	simm.s32 $0xE400;
	[dreg:$0xc] =	wrdreg s24  }
0x17: {  	s0 =	sadd.s32 $0x1FC00, s18;
	[dreg:$0x4] =	wrdreg s26;
	s26 =	simm.s32 $0x400  }
0x18: {  	v0 =	vlaneseq.u32;
	s24 =	simm.s32 $0x1C00;
	s21 =	simm.s32 $0x6C00;
	s22 =	simm.s32 $0xA400  }
0x19: {  	v1 =	vshrl.u32 v0, $0x3;
	s10 =	simm.s32 $0x0;
	s20 =	simm.s32 $0x5;
	s23 =	simm.s32 $0x6  }
0x1a: {  	vm0 =	vmmov $0xffff;
	v0 =	vand.u32 $0x7, v0;
	v1 =	vmul.u32 $0x8, v1;
	s19 =	simm.s32 $0x7;
	[dreg:$0xd] =	wrdreg s0;
	s0 =	simm.s32 $0xC400  }
.LBB2_1:
0x1b: {  	[dreg:$0xf] =	wrdreg s10  }
0x1c: {  	s18 =	rddreg [dreg:$0x5];
	s10 =	simm.s32 $0x11  }
0x1d: {  	[tilespmem:s3], [sflag:$0x11] =	stream.linear.gather [hbm4b:s18+s3], $0x400, $0x38;
	[tilespmem:$0x10400] =	vst v63  }
0x1e: {  	_ =	swait.ge [sflag:s10], $0x400  }
0x1f: {  	[sflag:s10] =	ssyncset.done $0x0  }
0x20: {  	[sflag:s10] =	ssyncadd.s32 $0xFFFFFC00  }
0x21: {  	v2 =	vld.msk [tilespmem:$0x0], $0xff;
	_ =	sdelay $0x4  }
0x22: {  	v3 =	vshll.u32 v2, $0x3  }
0x23: {  	v2 =	vand.u32 $0x7, v2;
	v3 =	vand.u32 $0xFFFFFFC0, v3  }
0x24: {  	v2 =	vor.u32 v2, v3  }
0x25: {  	v2 =	vperm.xlane v2, v0;
	_ =	sdelay $0x1  }
0x26: {  	v2 =	vadd.s32 v1, v2;
	_ =	sdelay $0x4  }
0x27: {  	[tilespmem:s26], [sflag:$0x1] =	stream.indirect_vreg.gather [hbm4b:s2+s3], $0x80, v2, vm0, $0xb8;
	[tilespmem:$0x10400] =	vst v63  }
0x28: {  	_ = 	snop  }
0x29: {  	[tilespmem:s31], [sflag:$0x1] =	stream.indirect_vreg.gather [hbm4b:s5+s3], $0x80, v2, vm0, $0xb8;
	[tilespmem:$0x10400] =	vst v63  }
0x2a: {  	_ = 	snop  }
0x2b: {  	[tilespmem:s25], [sflag:$0x1] =	stream.indirect_vreg.gather [hbm4b:s6+s3], $0x80, v2, vm0, $0xb8;
	[tilespmem:$0x10400] =	vst v63  }
0x2c: {  	_ = 	snop  }
0x2d: {  	[tilespmem:s24], [sflag:$0x1] =	stream.indirect_vreg.gather [hbm4b:s7+s3], $0x80, v2, vm0, $0xb8;
	[tilespmem:$0x10400] =	vst v63  }
0x2e: {  	v2 =	vld.msk [tilespmem:$0x8], $0xff;
	_ =	sdelay $0x4  }
0x2f: {  	v3 =	vshll.u32 v2, $0x3  }
0x30: {  	v2 =	vand.u32 $0x7, v2;
	v3 =	vand.u32 $0xFFFFFFC0, v3  }
0x31: {  	v2 =	vor.u32 v2, v3  }
0x32: {  	v2 =	vperm.xlane v2, v0;
	_ =	sdelay $0x1  }
0x33: {  	v2 =	vadd.s32 v1, v2;
	_ =	sdelay $0x4  }
0x34: {  	[tilespmem:s16], [sflag:$0x2] =	stream.indirect_vreg.gather [hbm4b:s2+s3], $0x80, v2, vm0, $0xb8;
	[tilespmem:$0x10400] =	vst v63  }
0x35: {  	_ = 	snop  }
0x36: {  	[tilespmem:s11], [sflag:$0x2] =	stream.indirect_vreg.gather [hbm4b:s5+s3], $0x80, v2, vm0, $0xb8;
	[tilespmem:$0x10400] =	vst v63  }
0x37: {  	_ = 	snop  }
0x38: {  	[tilespmem:s13], [sflag:$0x2] =	stream.indirect_vreg.gather [hbm4b:s6+s3], $0x80, v2, vm0, $0xb8;
	[tilespmem:$0x10400] =	vst v63  }
0x39: {  	_ = 	snop  }
0x3a: {  	[tilespmem:s14], [sflag:$0x2] =	stream.indirect_vreg.gather [hbm4b:s7+s3], $0x80, v2, vm0, $0xb8;
	[tilespmem:$0x10400] =	vst v63  }
0x3b: {  	v2 =	vld.msk [tilespmem:$0x10], $0xff;
	_ =	sdelay $0x4  }
0x3c: {  	v3 =	vshll.u32 v2, $0x3  }
0x3d: {  	v2 =	vand.u32 $0x7, v2;
	v3 =	vand.u32 $0xFFFFFFC0, v3  }
0x3e: {  	v2 =	vor.u32 v2, v3  }
0x3f: {  	v2 =	vperm.xlane v2, v0;
	_ =	sdelay $0x1  }
0x40: {  	v2 =	vadd.s32 v1, v2;
	_ =	sdelay $0x4  }
0x41: {  	[tilespmem:s8], [sflag:$0x3] =	stream.indirect_vreg.gather [hbm4b:s2+s3], $0x80, v2, vm0, $0xb8;
	[tilespmem:$0x10400] =	vst v63  }
0x42: {  	s11 =	simm.s32 $0x4C00  }
0x43: {  	[tilespmem:s11], [sflag:$0x3] =	stream.indirect_vreg.gather [hbm4b:s5+s3], $0x80, v2, vm0, $0xb8;
	[tilespmem:$0x10400] =	vst v63  }
0x44: {  	s13 =	simm.s32 $0x5400  }
0x45: {  	[tilespmem:s13], [sflag:$0x3] =	stream.indirect_vreg.gather [hbm4b:s6+s3], $0x80, v2, vm0, $0xb8;
	[tilespmem:$0x10400] =	vst v63  }
0x46: {  	s14 =	simm.s32 $0x5C00  }
0x47: {  	[tilespmem:s14], [sflag:$0x3] =	stream.indirect_vreg.gather [hbm4b:s7+s3], $0x80, v2, vm0, $0xb8;
	[tilespmem:$0x10400] =	vst v63  }
0x48: {  	v2 =	vld.msk [tilespmem:$0x18], $0xff;
	_ =	sdelay $0x4  }
0x49: {  	v3 =	vshll.u32 v2, $0x3  }
0x4a: {  	v2 =	vand.u32 $0x7, v2;
	v3 =	vand.u32 $0xFFFFFFC0, v3  }
0x4b: {  	v2 =	vor.u32 v2, v3  }
0x4c: {  	v2 =	vperm.xlane v2, v0;
	_ =	sdelay $0x1  }
0x4d: {  	v2 =	vadd.s32 v1, v2;
	_ =	sdelay $0x4  }
0x4e: {  	[tilespmem:s12], [sflag:$0x4] =	stream.indirect_vreg.gather [hbm4b:s2+s3], $0x80, v2, vm0, $0xb8;
	[tilespmem:$0x10400] =	vst v63  }
0x4f: {  	_ = 	snop  }
0x50: {  	[tilespmem:s21], [sflag:$0x4] =	stream.indirect_vreg.gather [hbm4b:s5+s3], $0x80, v2, vm0, $0xb8;
	[tilespmem:$0x10400] =	vst v63  }
0x51: {  	s16 =	simm.s32 $0x7400  }
0x52: {  	[tilespmem:s16], [sflag:$0x4] =	stream.indirect_vreg.gather [hbm4b:s6+s3], $0x80, v2, vm0, $0xb8;
	[tilespmem:$0x10400] =	vst v63  }
0x53: {  	s18 =	simm.s32 $0x7C00  }
0x54: {  	[tilespmem:s18], [sflag:$0x4] =	stream.indirect_vreg.gather [hbm4b:s7+s3], $0x80, v2, vm0, $0xb8;
	[tilespmem:$0x10400] =	vst v63  }
0x55: {  	v2 =	vld.msk [tilespmem:$0x20], $0xff;
	_ =	sdelay $0x4  }
0x56: {  	v3 =	vshll.u32 v2, $0x3  }
0x57: {  	v2 =	vand.u32 $0x7, v2;
	v3 =	vand.u32 $0xFFFFFFC0, v3  }
0x58: {  	v2 =	vor.u32 v2, v3  }
0x59: {  	v2 =	vperm.xlane v2, v0;
	_ =	sdelay $0x1  }
0x5a: {  	v2 =	vadd.s32 v1, v2;
	_ =	sdelay $0x4  }
0x5b: {  	[tilespmem:s28], [sflag:$0x5] =	stream.indirect_vreg.gather [hbm4b:s2+s3], $0x80, v2, vm0, $0xb8;
	[tilespmem:$0x10400] =	vst v63  }
0x5c: {  	_ = 	snop  }
0x5d: {  	[tilespmem:s29], [sflag:$0x5] =	stream.indirect_vreg.gather [hbm4b:s5+s3], $0x80, v2, vm0, $0xb8;
	[tilespmem:$0x10400] =	vst v63  }
0x5e: {  	s21 =	simm.s32 $0x9400  }
0x5f: {  	[tilespmem:s21], [sflag:$0x5] =	stream.indirect_vreg.gather [hbm4b:s6+s3], $0x80, v2, vm0, $0xb8;
	[tilespmem:$0x10400] =	vst v63  }
0x60: {  	s24 =	simm.s32 $0x9C00  }
0x61: {  	[tilespmem:s24], [sflag:$0x5] =	stream.indirect_vreg.gather [hbm4b:s7+s3], $0x80, v2, vm0, $0xb8;
	[tilespmem:$0x10400] =	vst v63  }
0x62: {  	v2 =	vld.msk [tilespmem:$0x28], $0xff;
	_ =	sdelay $0x4  }
0x63: {  	v3 =	vshll.u32 v2, $0x3  }
0x64: {  	v2 =	vand.u32 $0x7, v2;
	v3 =	vand.u32 $0xFFFFFFC0, v3  }
0x65: {  	v2 =	vor.u32 v2, v3  }
0x66: {  	v2 =	vperm.xlane v2, v0;
	_ =	sdelay $0x1  }
0x67: {  	v2 =	vadd.s32 v1, v2;
	_ =	sdelay $0x4  }
0x68: {  	[tilespmem:s22], [sflag:$0x6] =	stream.indirect_vreg.gather [hbm4b:s2+s3], $0x80, v2, vm0, $0xb8;
	[tilespmem:$0x10400] =	vst v63  }
0x69: {  	_ = 	snop  }
0x6a: {  	[tilespmem:s30], [sflag:$0x6] =	stream.indirect_vreg.gather [hbm4b:s5+s3], $0x80, v2, vm0, $0xb8;
	[tilespmem:$0x10400] =	vst v63  }
0x6b: {  	s25 =	simm.s32 $0xB400  }
0x6c: {  	[tilespmem:s25], [sflag:$0x6] =	stream.indirect_vreg.gather [hbm4b:s6+s3], $0x80, v2, vm0, $0xb8;
	[tilespmem:$0x10400] =	vst v63  }
0x6d: {  	s26 =	simm.s32 $0xBC00  }
0x6e: {  	[tilespmem:s26], [sflag:$0x6] =	stream.indirect_vreg.gather [hbm4b:s7+s3], $0x80, v2, vm0, $0xb8;
	[tilespmem:$0x10400] =	vst v63  }
0x6f: {  	v2 =	vld.msk [tilespmem:$0x30], $0xff;
	_ =	sdelay $0x4  }
0x70: {  	v3 =	vshll.u32 v2, $0x3  }
0x71: {  	v2 =	vand.u32 $0x7, v2;
	v3 =	vand.u32 $0xFFFFFFC0, v3  }
0x72: {  	v2 =	vor.u32 v2, v3  }
0x73: {  	v2 =	vperm.xlane v2, v0;
	_ =	sdelay $0x1  }
0x74: {  	v2 =	vadd.s32 v1, v2;
	_ =	sdelay $0x4  }
0x75: {  	[tilespmem:s0], [sflag:$0x7] =	stream.indirect_vreg.gather [hbm4b:s2+s3], $0x80, v2, vm0, $0xb8;
	[tilespmem:$0x10400] =	vst v63  }
0x76: {  	_ = 	snop  }
0x77: {  	[tilespmem:s1], [sflag:$0x7] =	stream.indirect_vreg.gather [hbm4b:s5+s3], $0x80, v2, vm0, $0xb8;
	[tilespmem:$0x10400] =	vst v63  }
0x78: {  	s28 =	simm.s32 $0xD400  }
0x79: {  	[tilespmem:s28], [sflag:$0x7] =	stream.indirect_vreg.gather [hbm4b:s6+s3], $0x80, v2, vm0, $0xb8;
	[tilespmem:$0x10400] =	vst v63  }
0x7a: {  	s29 =	simm.s32 $0xDC00  }
0x7b: {  	[tilespmem:s29], [sflag:$0x7] =	stream.indirect_vreg.gather [hbm4b:s7+s3], $0x80, v2, vm0, $0xb8;
	[tilespmem:$0x10400] =	vst v63  }
0x7c: {  	v2 =	vld.msk [tilespmem:$0x38], $0xff;
	_ =	sdelay $0x4  }
0x7d: {  	v3 =	vshll.u32 v2, $0x3  }
0x7e: {  	v2 =	vand.u32 $0x7, v2;
	v3 =	vand.u32 $0xFFFFFFC0, v3  }
0x7f: {  	v2 =	vor.u32 v2, v3  }
0x80: {  	v2 =	vperm.xlane v2, v0;
	_ =	sdelay $0x1  }
0x81: {  	v2 =	vadd.s32 v1, v2;
	_ =	sdelay $0x4  }
0x82: {  	[tilespmem:s4], [sflag:$0x8] =	stream.indirect_vreg.gather [hbm4b:s2+s3], $0x80, v2, vm0, $0xb8;
	[tilespmem:$0x10400] =	vst v63  }
0x83: {  	s10 =	simm.s32 $0x1;
	s31 =	simm.s32 $0xFC00  }
0x84: {  	[tilespmem:s9], [sflag:$0x8] =	stream.indirect_vreg.gather [hbm4b:s5+s3], $0x80, v2, vm0, $0xb8;
	[tilespmem:$0x10400] =	vst v63  }
0x85: {  	s11 =	simm.s32 $0x2;
	s13 =	simm.s32 $0x9;
	s30 =	simm.s32 $0xF400  }
0x86: {  	[tilespmem:s30], [sflag:$0x8] =	stream.indirect_vreg.gather [hbm4b:s6+s3], $0x80, v2, vm0, $0xb8;
	[tilespmem:$0x10400] =	vst v63  }
0x87: {  	s14 =	simm.s32 $0x3;
	s24 =	simm.s32 $0x78;
	s25 =	simm.s32 $0x0  }
0x88: {  	[tilespmem:s31], [sflag:$0x8] =	stream.indirect_vreg.gather [hbm4b:s7+s3], $0x80, v2, vm0, $0xb8;
	[tilespmem:$0x10400] =	vst v63  }
.LBB2_2:
0x89: {  	_ =	swait.ge [sflag:s10], $0x2000  }
0x8a: {  	s18 =	rddreg [dreg:$0x4];
	[sflag:s10] =	ssyncset.done $0x0  }
0x8b: {  	s31 =	simm.s32 $0x400;
	[sflag:s10] =	ssyncadd.s32 $0xFFFFE000;
	s18 =	sadd.s32 s25, s18  }
0x8c: {  	[hbm4b:s18+s3] =	stream.linear.scatter [tilespmem:s31], [sflag:$0x9], $0x2000, $0x38;
	[tilespmem:$0x10400] =	vst v63  }
0x8d: {  	_ =	swait.ge [sflag:s11], $0x2000  }
0x8e: {  	[sflag:s11] =	ssyncset.done $0x0  }
0x8f: {  	s8 =	simm.s32 $0x2400;
	s22 =	sadd.s32 $0x400, s18;
	[sflag:s11] =	ssyncadd.s32 $0xFFFFE000  }
0x90: {  	[hbm4b:s22+s3] =	stream.linear.scatter [tilespmem:s8], [sflag:$0xA], $0x2000, $0x38;
	[tilespmem:$0x10400] =	vst v63  }
0x91: {  	_ =	swait.ge [sflag:s13], $0x2000  }
0x92: {  	[sflag:s13] =	ssyncset.done $0x0  }
0x93: {  	[sflag:s13] =	ssyncadd.s32 $0xFFFFE000  }
0x94: {  	v2 =	vld.msk [tilespmem:s24+$0xFFFFFFC8], $0xff;
	_ =	sdelay $0x4  }
0x95: {  	v3 =	vshll.u32 v2, $0x3  }
0x96: {  	v2 =	vand.u32 $0x7, v2;
	v3 =	vand.u32 $0xFFFFFFC0, v3  }
0x97: {  	v2 =	vor.u32 v2, v3  }
0x98: {  	v2 =	vperm.xlane v2, v0;
	_ =	sdelay $0x1  }
0x99: {  	v2 =	vadd.s32 v1, v2;
	_ =	sdelay $0x4  }
0x9a: {  	[tilespmem:s31], [sflag:$0x1] =	stream.indirect_vreg.gather [hbm4b:s2+s3], $0x80, v2, vm0, $0xb8;
	[tilespmem:$0x10400] =	vst v63  }
0x9b: {  	s31 =	simm.s32 $0xC00  }
0x9c: {  	[tilespmem:s31], [sflag:$0x1] =	stream.indirect_vreg.gather [hbm4b:s5+s3], $0x80, v2, vm0, $0xb8;
	[tilespmem:$0x10400] =	vst v63  }
0x9d: {  	s0 =	simm.s32 $0x1400  }
0x9e: {  	[tilespmem:s0], [sflag:$0x1] =	stream.indirect_vreg.gather [hbm4b:s6+s3], $0x80, v2, vm0, $0xb8;
	[tilespmem:$0x10400] =	vst v63  }
0x9f: {  	s16 =	simm.s32 $0x1C00  }
0xa0: {  	[tilespmem:s16], [sflag:$0x1] =	stream.indirect_vreg.gather [hbm4b:s7+s3], $0x80, v2, vm0, $0xb8;
	[tilespmem:$0x10400] =	vst v63  }
0xa1: {  	_ =	swait.ge [sflag:s14], $0x2000  }
0xa2: {  	s12 =	simm.s32 $0x4400;
	[sflag:s14] =	ssyncset.done $0x0  }
0xa3: {  	s21 =	sadd.s32 $0x800, s18;
	s22 =	simm.s32 $0xA;
	[sflag:s14] =	ssyncadd.s32 $0xFFFFE000  }
0xa4: {  	[hbm4b:s21+s3] =	stream.linear.scatter [tilespmem:s12], [sflag:$0xB], $0x2000, $0x38;
	[tilespmem:$0x10400] =	vst v63  }
0xa5: {  	_ =	swait.ge [sflag:s22], $0x2000  }
0xa6: {  	[sflag:s22] =	ssyncset.done $0x0  }
0xa7: {  	[sflag:s22] =	ssyncadd.s32 $0xFFFFE000  }
0xa8: {  	v2 =	vld.msk [tilespmem:s24+$0xFFFFFFD0], $0xff;
	_ =	sdelay $0x4  }
0xa9: {  	v3 =	vshll.u32 v2, $0x3  }
0xaa: {  	v2 =	vand.u32 $0x7, v2;
	v3 =	vand.u32 $0xFFFFFFC0, v3  }
0xab: {  	v2 =	vor.u32 v2, v3  }
0xac: {  	v2 =	vperm.xlane v2, v0;
	_ =	sdelay $0x1  }
0xad: {  	v2 =	vadd.s32 v1, v2;
	_ =	sdelay $0x4  }
0xae: {  	[tilespmem:s8], [sflag:$0x2] =	stream.indirect_vreg.gather [hbm4b:s2+s3], $0x80, v2, vm0, $0xb8;
	[tilespmem:$0x10400] =	vst v63  }
0xaf: {  	s1 =	simm.s32 $0x2C00  }
0xb0: {  	[tilespmem:s1], [sflag:$0x2] =	stream.indirect_vreg.gather [hbm4b:s5+s3], $0x80, v2, vm0, $0xb8;
	[tilespmem:$0x10400] =	vst v63  }
0xb1: {  	s4 =	simm.s32 $0x3400  }
0xb2: {  	[tilespmem:s4], [sflag:$0x2] =	stream.indirect_vreg.gather [hbm4b:s6+s3], $0x80, v2, vm0, $0xb8;
	[tilespmem:$0x10400] =	vst v63  }
0xb3: {  	s8 =	simm.s32 $0x3C00  }
0xb4: {  	[tilespmem:s8], [sflag:$0x2] =	stream.indirect_vreg.gather [hbm4b:s7+s3], $0x80, v2, vm0, $0xb8;
	[tilespmem:$0x10400] =	vst v63  }
0xb5: {  	_ =	swait.ge [sflag:s17], $0x2000  }
0xb6: {  	s9 =	sadd.s32 $0xC00, s18;
	[sflag:s17] =	ssyncset.done $0x0  }
0xb7: {  	s21 =	simm.s32 $0x6400;
	s22 =	simm.s32 $0xB;
	[sflag:s17] =	ssyncadd.s32 $0xFFFFE000  }
0xb8: {  	[hbm4b:s9+s3] =	stream.linear.scatter [tilespmem:s21], [sflag:$0xC], $0x2000, $0x38;
	[tilespmem:$0x10400] =	vst v63  }
0xb9: {  	_ =	swait.ge [sflag:s22], $0x2000  }
0xba: {  	[sflag:s22] =	ssyncset.done $0x0  }
0xbb: {  	[sflag:s22] =	ssyncadd.s32 $0xFFFFE000  }
0xbc: {  	v2 =	vld.msk [tilespmem:s24+$0xFFFFFFD8], $0xff;
	_ =	sdelay $0x4  }
0xbd: {  	v3 =	vshll.u32 v2, $0x3  }
0xbe: {  	v2 =	vand.u32 $0x7, v2;
	v3 =	vand.u32 $0xFFFFFFC0, v3  }
0xbf: {  	v2 =	vor.u32 v2, v3  }
0xc0: {  	v2 =	vperm.xlane v2, v0;
	_ =	sdelay $0x1  }
0xc1: {  	v2 =	vadd.s32 v1, v2;
	_ =	sdelay $0x4  }
0xc2: {  	[tilespmem:s12], [sflag:$0x3] =	stream.indirect_vreg.gather [hbm4b:s2+s3], $0x80, v2, vm0, $0xb8;
	[tilespmem:$0x10400] =	vst v63  }
0xc3: {  	s1 =	simm.s32 $0x4C00  }
0xc4: {  	[tilespmem:s1], [sflag:$0x3] =	stream.indirect_vreg.gather [hbm4b:s5+s3], $0x80, v2, vm0, $0xb8;
	[tilespmem:$0x10400] =	vst v63  }
0xc5: {  	s4 =	simm.s32 $0x5400  }
0xc6: {  	[tilespmem:s4], [sflag:$0x3] =	stream.indirect_vreg.gather [hbm4b:s6+s3], $0x80, v2, vm0, $0xb8;
	[tilespmem:$0x10400] =	vst v63  }
0xc7: {  	s9 =	simm.s32 $0x5C00  }
0xc8: {  	[tilespmem:s9], [sflag:$0x3] =	stream.indirect_vreg.gather [hbm4b:s7+s3], $0x80, v2, vm0, $0xb8;
	[tilespmem:$0x10400] =	vst v63  }
0xc9: {  	_ =	swait.ge [sflag:s20], $0x2000  }
0xca: {  	s29 =	simm.s32 $0x8400;
	[sflag:s20] =	ssyncset.done $0x0  }
0xcb: {  	s22 =	simm.s32 $0xC;
	s12 =	sadd.s32 $0x1000, s18;
	[sflag:s20] =	ssyncadd.s32 $0xFFFFE000  }
0xcc: {  	[hbm4b:s12+s3] =	stream.linear.scatter [tilespmem:s29], [sflag:$0xD], $0x2000, $0x38;
	[tilespmem:$0x10400] =	vst v63  }
0xcd: {  	_ =	swait.ge [sflag:s22], $0x2000  }
0xce: {  	[sflag:s22] =	ssyncset.done $0x0  }
0xcf: {  	[sflag:s22] =	ssyncadd.s32 $0xFFFFE000  }
0xd0: {  	v2 =	vld.msk [tilespmem:s24+$0xFFFFFFE0], $0xff;
	_ =	sdelay $0x4  }
0xd1: {  	v3 =	vshll.u32 v2, $0x3  }
0xd2: {  	v2 =	vand.u32 $0x7, v2;
	v3 =	vand.u32 $0xFFFFFFC0, v3  }
0xd3: {  	v2 =	vor.u32 v2, v3  }
0xd4: {  	v2 =	vperm.xlane v2, v0;
	_ =	sdelay $0x1  }
0xd5: {  	v2 =	vadd.s32 v1, v2;
	_ =	sdelay $0x4  }
0xd6: {  	[tilespmem:s21], [sflag:$0x4] =	stream.indirect_vreg.gather [hbm4b:s2+s3], $0x80, v2, vm0, $0xb8;
	[tilespmem:$0x10400] =	vst v63  }
0xd7: {  	s21 =	simm.s32 $0x6C00  }
0xd8: {  	[tilespmem:s21], [sflag:$0x4] =	stream.indirect_vreg.gather [hbm4b:s5+s3], $0x80, v2, vm0, $0xb8;
	[tilespmem:$0x10400] =	vst v63  }
0xd9: {  	s1 =	simm.s32 $0x7400  }
0xda: {  	[tilespmem:s1], [sflag:$0x4] =	stream.indirect_vreg.gather [hbm4b:s6+s3], $0x80, v2, vm0, $0xb8;
	[tilespmem:$0x10400] =	vst v63  }
0xdb: {  	s4 =	simm.s32 $0x7C00  }
0xdc: {  	[tilespmem:s4], [sflag:$0x4] =	stream.indirect_vreg.gather [hbm4b:s7+s3], $0x80, v2, vm0, $0xb8;
	[tilespmem:$0x10400] =	vst v63  }
0xdd: {  	_ =	swait.ge [sflag:s23], $0x2000  }
0xde: {  	s30 =	simm.s32 $0xA400;
	[sflag:s23] =	ssyncset.done $0x0  }
0xdf: {  	s9 =	sadd.s32 $0x1400, s18;
	s22 =	simm.s32 $0xD;
	[sflag:s23] =	ssyncadd.s32 $0xFFFFE000  }
0xe0: {  	[hbm4b:s9+s3] =	stream.linear.scatter [tilespmem:s30], [sflag:$0xE], $0x2000, $0x38;
	[tilespmem:$0x10400] =	vst v63  }
0xe1: {  	_ =	swait.ge [sflag:s22], $0x2000  }
0xe2: {  	[sflag:s22] =	ssyncset.done $0x0  }
0xe3: {  	[sflag:s22] =	ssyncadd.s32 $0xFFFFE000  }
0xe4: {  	v2 =	vld.msk [tilespmem:s24+$0xFFFFFFE8], $0xff;
	_ =	sdelay $0x4  }
0xe5: {  	v3 =	vshll.u32 v2, $0x3  }
0xe6: {  	v2 =	vand.u32 $0x7, v2;
	v3 =	vand.u32 $0xFFFFFFC0, v3  }
0xe7: {  	v2 =	vor.u32 v2, v3  }
0xe8: {  	v2 =	vperm.xlane v2, v0;
	_ =	sdelay $0x1  }
0xe9: {  	v2 =	vadd.s32 v1, v2;
	_ =	sdelay $0x4  }
0xea: {  	[tilespmem:s29], [sflag:$0x5] =	stream.indirect_vreg.gather [hbm4b:s2+s3], $0x80, v2, vm0, $0xb8;
	[tilespmem:$0x10400] =	vst v63  }
0xeb: {  	s29 =	simm.s32 $0x8C00  }
0xec: {  	[tilespmem:s29], [sflag:$0x5] =	stream.indirect_vreg.gather [hbm4b:s5+s3], $0x80, v2, vm0, $0xb8;
	[tilespmem:$0x10400] =	vst v63  }
0xed: {  	s1 =	simm.s32 $0x9400  }
0xee: {  	[tilespmem:s1], [sflag:$0x5] =	stream.indirect_vreg.gather [hbm4b:s6+s3], $0x80, v2, vm0, $0xb8;
	[tilespmem:$0x10400] =	vst v63  }
0xef: {  	s4 =	simm.s32 $0x9C00  }
0xf0: {  	[tilespmem:s4], [sflag:$0x5] =	stream.indirect_vreg.gather [hbm4b:s7+s3], $0x80, v2, vm0, $0xb8;
	[tilespmem:$0x10400] =	vst v63  }
0xf1: {  	_ =	swait.ge [sflag:s19], $0x2000  }
0xf2: {  	s9 =	sadd.s32 $0x1800, s18;
	[sflag:s19] =	ssyncset.done $0x0  }
0xf3: {  	s22 =	simm.s32 $0xE;
	s1 =	simm.s32 $0xC400;
	[sflag:s19] =	ssyncadd.s32 $0xFFFFE000  }
0xf4: {  	[hbm4b:s9+s3] =	stream.linear.scatter [tilespmem:s1], [sflag:$0xF], $0x2000, $0x38;
	[tilespmem:$0x10400] =	vst v63  }
0xf5: {  	_ =	swait.ge [sflag:s22], $0x2000  }
0xf6: {  	[sflag:s22] =	ssyncset.done $0x0  }
0xf7: {  	[sflag:s22] =	ssyncadd.s32 $0xFFFFE000  }
0xf8: {  	v2 =	vld.msk [tilespmem:s24+$0xFFFFFFF0], $0xff;
	_ =	sdelay $0x4  }
0xf9: {  	v3 =	vshll.u32 v2, $0x3  }
0xfa: {  	v2 =	vand.u32 $0x7, v2;
	v3 =	vand.u32 $0xFFFFFFC0, v3  }
0xfb: {  	v2 =	vor.u32 v2, v3  }
0xfc: {  	v2 =	vperm.xlane v2, v0;
	_ =	sdelay $0x1  }
0xfd: {  	v2 =	vadd.s32 v1, v2;
	_ =	sdelay $0x4  }
0xfe: {  	[tilespmem:s30], [sflag:$0x6] =	stream.indirect_vreg.gather [hbm4b:s2+s3], $0x80, v2, vm0, $0xb8;
	[tilespmem:$0x10400] =	vst v63  }
0xff: {  	s30 =	simm.s32 $0xAC00  }
0x100: {  	[tilespmem:s30], [sflag:$0x6] =	stream.indirect_vreg.gather [hbm4b:s5+s3], $0x80, v2, vm0, $0xb8;
	[tilespmem:$0x10400] =	vst v63  }
0x101: {  	s4 =	simm.s32 $0xB400  }
0x102: {  	[tilespmem:s4], [sflag:$0x6] =	stream.indirect_vreg.gather [hbm4b:s6+s3], $0x80, v2, vm0, $0xb8;
	[tilespmem:$0x10400] =	vst v63  }
0x103: {  	s9 =	simm.s32 $0xBC00  }
0x104: {  	[tilespmem:s9], [sflag:$0x6] =	stream.indirect_vreg.gather [hbm4b:s7+s3], $0x80, v2, vm0, $0xb8;
	[tilespmem:$0x10400] =	vst v63  }
0x105: {  	_ =	swait.ge [sflag:s15], $0x2000  }
0x106: {  	s18 =	sadd.s32 $0x1C00, s18;
	[sflag:s15] =	ssyncset.done $0x0  }
0x107: {  	s4 =	simm.s32 $0xF;
	s9 =	simm.s32 $0xE400;
	[sflag:s15] =	ssyncadd.s32 $0xFFFFE000  }
0x108: {  	[hbm4b:s18+s3] =	stream.linear.scatter [tilespmem:s9], [sflag:$0x10], $0x2000, $0x38;
	[tilespmem:$0x10400] =	vst v63  }
0x109: {  	_ =	swait.ge [sflag:s4], $0x2000  }
0x10a: {  	[sflag:s4] =	ssyncset.done $0x0  }
0x10b: {  	[sflag:s4] =	ssyncadd.s32 $0xFFFFE000  }
0x10c: {  	v2 =	vld.msk [tilespmem:s24+$0xFFFFFFF8], $0xff;
	_ =	sdelay $0x4  }
0x10d: {  	v3 =	vshll.u32 v2, $0x3  }
0x10e: {  	v2 =	vand.u32 $0x7, v2;
	v3 =	vand.u32 $0xFFFFFFC0, v3  }
0x10f: {  	v2 =	vor.u32 v2, v3  }
0x110: {  	v2 =	vperm.xlane v2, v0;
	_ =	sdelay $0x1  }
0x111: {  	v2 =	vadd.s32 v1, v2;
	_ =	sdelay $0x4  }
0x112: {  	[tilespmem:s1], [sflag:$0x7] =	stream.indirect_vreg.gather [hbm4b:s2+s3], $0x80, v2, vm0, $0xb8;
	[tilespmem:$0x10400] =	vst v63  }
0x113: {  	s1 =	simm.s32 $0xCC00  }
0x114: {  	[tilespmem:s1], [sflag:$0x7] =	stream.indirect_vreg.gather [hbm4b:s5+s3], $0x80, v2, vm0, $0xb8;
	[tilespmem:$0x10400] =	vst v63  }
0x115: {  	s4 =	simm.s32 $0xD400  }
0x116: {  	[tilespmem:s4], [sflag:$0x7] =	stream.indirect_vreg.gather [hbm4b:s6+s3], $0x80, v2, vm0, $0xb8;
	[tilespmem:$0x10400] =	vst v63  }
0x117: {  	s18 =	simm.s32 $0xDC00  }
0x118: {  	[tilespmem:s18], [sflag:$0x7] =	stream.indirect_vreg.gather [hbm4b:s7+s3], $0x80, v2, vm0, $0xb8;
	[tilespmem:$0x10400] =	vst v63  }
0x119: {  	s18 =	simm.s32 $0x10  }
0x11a: {  	_ =	swait.ge [sflag:s18], $0x2000  }
0x11b: {  	[sflag:s18] =	ssyncset.done $0x0  }
0x11c: {  	[sflag:s18] =	ssyncadd.s32 $0xFFFFE000  }
0x11d: {  	v2 =	vld.msk [tilespmem:s24+$0x0], $0xff;
	_ =	sdelay $0x4  }
0x11e: {  	v3 =	vshll.u32 v2, $0x3  }
0x11f: {  	v2 =	vand.u32 $0x7, v2;
	v3 =	vand.u32 $0xFFFFFFC0, v3  }
0x120: {  	v2 =	vor.u32 v2, v3  }
0x121: {  	v2 =	vperm.xlane v2, v0;
	_ =	sdelay $0x1  }
0x122: {  	v2 =	vadd.s32 v1, v2;
	_ =	sdelay $0x3  }
0x123: {  	s26 =	simm.s32 $0x400;
	s28 =	simm.s32 $0x8400;
	p0 =	sne.s32 s25, $0x1C000  }
0x124: {  	[tilespmem:s9], [sflag:$0x8] =	stream.indirect_vreg.gather [hbm4b:s2+s3], $0x80, v2, vm0, $0xb8;
	[tilespmem:$0x10400] =	vst v63  }
0x125: {  	s25 =	sadd.s32 $0x2000, s25;
	s0 =	simm.s32 $0xC400;
	s9 =	simm.s32 $0xEC00  }
0x126: {  	[tilespmem:s9], [sflag:$0x8] =	stream.indirect_vreg.gather [hbm4b:s5+s3], $0x80, v2, vm0, $0xb8;
	[tilespmem:$0x10400] =	vst v63  }
.Ltmp0:
0x127: {  	s16 =	simm.s32 $0x2400;
	s8 =	simm.s32 $0x4400;
	(pc) =	sbr.rel @p0 .LBB2_2-.Ltmp0, $4  }
0x128: {  	s12 =	simm.s32 $0x6400;
	s22 =	simm.s32 $0xA400;
	s18 =	simm.s32 $0xF400  }
0x129: {  	[tilespmem:s18], [sflag:$0x8] =	stream.indirect_vreg.gather [hbm4b:s6+s3], $0x80, v2, vm0, $0xb8;
	[tilespmem:$0x10400] =	vst v63  }
0x12a: {  	s4 =	simm.s32 $0xE400;
	s24 =	sadd.s32 $0x40, s24;
	s18 =	simm.s32 $0xFC00  }
0x12b: {  	[tilespmem:s18], [sflag:$0x8] =	stream.indirect_vreg.gather [hbm4b:s7+s3], $0x80, v2, vm0, $0xb8;
	[tilespmem:$0x10400] =	vst v63  }
0x12c: {  	_ =	swait.ge [sflag:s10], $0x2000  }
0x12d: {  	[sflag:s10] =	ssyncset.done $0x0  }
0x12e: {  	s18 =	rddreg [dreg:$0x6];
	[sflag:s10] =	ssyncadd.s32 $0xFFFFE000  }
0x12f: {  	[hbm4b:s18+s3] =	stream.linear.scatter [tilespmem:s26], [sflag:$0x9], $0x2000, $0x38;
	[tilespmem:$0x10400] =	vst v63  }
0x130: {  	_ =	swait.ge [sflag:s11], $0x2000  }
0x131: {  	[sflag:s11] =	ssyncset.done $0x0  }
0x132: {  	s10 =	rddreg [dreg:$0x7];
	[sflag:s11] =	ssyncadd.s32 $0xFFFFE000  }
0x133: {  	[hbm4b:s10+s3] =	stream.linear.scatter [tilespmem:s16], [sflag:$0xA], $0x2000, $0x38;
	[tilespmem:$0x10400] =	vst v63  }
0x134: {  	_ =	swait.ge [sflag:s14], $0x2000  }
0x135: {  	[sflag:s14] =	ssyncset.done $0x0  }
0x136: {  	s11 =	rddreg [dreg:$0x8];
	[sflag:s14] =	ssyncadd.s32 $0xFFFFE000  }
0x137: {  	[hbm4b:s11+s3] =	stream.linear.scatter [tilespmem:s8], [sflag:$0xB], $0x2000, $0x38;
	[tilespmem:$0x10400] =	vst v63  }
0x138: {  	_ =	swait.ge [sflag:s17], $0x2000  }
0x139: {  	[sflag:s17] =	ssyncset.done $0x0  }
0x13a: {  	s14 =	rddreg [dreg:$0x9];
	[sflag:s17] =	ssyncadd.s32 $0xFFFFE000  }
0x13b: {  	[hbm4b:s14+s3] =	stream.linear.scatter [tilespmem:s12], [sflag:$0xC], $0x2000, $0x38;
	[tilespmem:$0x10400] =	vst v63  }
0x13c: {  	_ =	swait.ge [sflag:s20], $0x2000  }
0x13d: {  	[sflag:s20] =	ssyncset.done $0x0  }
0x13e: {  	s24 =	rddreg [dreg:$0xa];
	[sflag:s20] =	ssyncadd.s32 $0xFFFFE000  }
0x13f: {  	[hbm4b:s24+s3] =	stream.linear.scatter [tilespmem:s28], [sflag:$0xD], $0x2000, $0x38;
	[tilespmem:$0x10400] =	vst v63  }
0x140: {  	_ =	swait.ge [sflag:s23], $0x2000  }
0x141: {  	[sflag:s23] =	ssyncset.done $0x0  }
0x142: {  	s25 =	rddreg [dreg:$0xb];
	[sflag:s23] =	ssyncadd.s32 $0xFFFFE000  }
0x143: {  	[hbm4b:s25+s3] =	stream.linear.scatter [tilespmem:s22], [sflag:$0xE], $0x2000, $0x38;
	[tilespmem:$0x10400] =	vst v63  }
0x144: {  	_ =	swait.ge [sflag:s19], $0x2000  }
0x145: {  	[sflag:s19] =	ssyncset.done $0x0  }
0x146: {  	s10 =	rddreg [dreg:$0xc];
	[sflag:s19] =	ssyncadd.s32 $0xFFFFE000  }
0x147: {  	[hbm4b:s10+s3] =	stream.linear.scatter [tilespmem:s0], [sflag:$0xF], $0x2000, $0x38;
	[tilespmem:$0x10400] =	vst v63  }
0x148: {  	_ =	swait.ge [sflag:s15], $0x2000  }
0x149: {  	[sflag:s15] =	ssyncset.done $0x0  }
0x14a: {  	s11 =	rddreg [dreg:$0xd];
	[sflag:s15] =	ssyncadd.s32 $0xFFFFE000  }
0x14b: {  	[hbm4b:s11+s3] =	stream.linear.scatter [tilespmem:s4], [sflag:$0x10], $0x2000, $0x38;
	[tilespmem:$0x10400] =	vst v63  }
0x14c: {  	_ =	swait.ge [sflag:s13], $0x2000  }
0x14d: {  	[sflag:s13] =	ssyncset.done $0x0  }
0x14e: {  	s14 =	simm.s32 $0xA;
	[sflag:s13] =	ssyncadd.s32 $0xFFFFE000  }
0x14f: {  	_ =	swait.ge [sflag:s14], $0x2000  }
0x150: {  	[sflag:s14] =	ssyncset.done $0x0  }
0x151: {  	s18 =	simm.s32 $0xB;
	[sflag:s14] =	ssyncadd.s32 $0xFFFFE000  }
0x152: {  	_ =	swait.ge [sflag:s18], $0x2000  }
0x153: {  	[sflag:s18] =	ssyncset.done $0x0  }
0x154: {  	s24 =	simm.s32 $0xC;
	[sflag:s18] =	ssyncadd.s32 $0xFFFFE000  }
0x155: {  	_ =	swait.ge [sflag:s24], $0x2000  }
0x156: {  	[sflag:s24] =	ssyncset.done $0x0  }
0x157: {  	s25 =	simm.s32 $0xD;
	[sflag:s24] =	ssyncadd.s32 $0xFFFFE000  }
0x158: {  	_ =	swait.ge [sflag:s25], $0x2000  }
0x159: {  	[sflag:s25] =	ssyncset.done $0x0  }
0x15a: {  	s11 =	simm.s32 $0xE;
	[sflag:s25] =	ssyncadd.s32 $0xFFFFE000  }
0x15b: {  	_ =	swait.ge [sflag:s11], $0x2000  }
0x15c: {  	[sflag:s11] =	ssyncset.done $0x0  }
0x15d: {  	s13 =	simm.s32 $0xF;
	[sflag:s11] =	ssyncadd.s32 $0xFFFFE000  }
0x15e: {  	_ =	swait.ge [sflag:s13], $0x2000  }
0x15f: {  	[sflag:s13] =	ssyncset.done $0x0  }
0x160: {  	s14 =	simm.s32 $0x10;
	[sflag:s13] =	ssyncadd.s32 $0xFFFFE000  }
0x161: {  	_ =	swait.ge [sflag:s14], $0x2000  }
0x162: {  	s24 =	rddreg [dreg:$0xf]  }
0x163: {  	s25 =	rddreg [dreg:$0xe];
	s10 =	sadd.s32 $0x1, s24  }
0x164: {  	p0 =	sne.s32 s10, s25  }
.Ltmp1:
0x165: {  	_ = 	snop;
	(pc) =	sbr.rel @p0 .LBB2_1-.Ltmp1, $4  }
0x166: {  	_ = 	snop  }
0x167: {  	[sflag:s14] =	ssyncset.done $0x0  }
0x168: {  	s11 =	simm.s32 $0x2C00;
	s13 =	simm.s32 $0x3400;
	[sflag:s14] =	ssyncadd.s32 $0xFFFFE000  }
0x169: {  	s24 =	simm.s32 $0x1C00;
	s14 =	simm.s32 $0x3C00;
	s25 =	simm.s32 $0x1400  }
0x16a: {  	_ =	sfence.sel $0x180000  }
0x16b: {  	[bflag:$0x0] =	sbarrier.arrive $0xFFFF  }
0x16c: {  	_ =	strace $0x90000047  }
0x16d: {  	s0 =	stileid.u32;
	[bflag:$0x2] =	sbarrier.arrive $0xFFFF  }
0x16e: {  	p0 =	sne.s32 s0, $0x0;
	s0 =	rddreg [dreg:$0x3]  }
0x16f: {  	s0 =	sadd.s32 @!p0 $0x100000, s0  }
0x170: {  	[sflag:s0] =	ssyncadd.tile.s32 @!p0 $0x1;
	_ =	shalt  }
.Lfunc_end2:
_tile_overlayer_lowered:
.L_overlay_start_2:
0x171: {  	(tag) =	ssettag $0x2  }
0x172: {  	s0 =	rddreg [dreg:$0x0];
	s2 =	stileid.u32  }
0x173: {  	s1 =	rddreg [dreg:$0x1];
	p0 =	sne.s32 s2, $0x0  }
0x174: {  	s3 =	rddreg [dreg:$0x2];
	[bflag:$0x3] =	sbarrier.arrive $0xFFFF;
	s2 =	simm.s32 @!p0 $0x1C11  }
0x175: {  	[timem:s3], [sflag:s2] =	dma.local @!p0 [hbm:s0], s1  }
0x176: {  	s0 =	simm.s32 @!p0 $0x11  }
0x177: {  	_ =	swait.ge @!p0 [sflag:s0], s1  }
0x178: {  	s1 =	ssub.s32 @!p0 $0x0, s1;
	[sflag:s0] =	ssyncset.done @!p0 $0x0  }
0x179: {  	[sflag:s0] =	ssyncadd.s32 @!p0 s1  }
0x17a: {  	[bflag:$0x3] =	sbarrier.arrive $0xFFFF  }
0x17b: {  	_ =	shalt  }

</sc_bundles>
